<compile_context>
chip_gen: v7x
topology: tpu7x:2x2x1
jax: 0.10.2.dev20260603
libtpu: 0.0.44.dev20260713+nightly
codegen_flags: <defaults>
</compile_context>

<pallas_src>
import functools

import jax
import jax.numpy as jnp
from jax import lax
from jax.experimental import pallas as pl
from jax.experimental.pallas import tpu as pltpu
from jax.experimental.pallas import tpu_sc as plsc

DIM = 128
K = 100000
BATCH = 16384

NC = 2
RPW = 8
CW = 3840
NFULL = 21
LASTW = K - BATCH - NFULL * CW
NL = 10

TBLK = 2048
NTBLK = BATCH // TBLK


def _sc_copy_body(q_hbm, o_hbm, buf, lastbuf, isem, osem, lsem):
    ch = lax.axis_index("c")
    r0 = pl.multiple_of(lax.axis_index("s") * RPW, RPW)

    def _co(l):
        return pl.multiple_of(BATCH + (2 * l + ch) * CW, 128)

    def din(l):
        return pltpu.make_async_copy(
            q_hbm.at[pl.ds(r0, RPW), pl.ds(_co(l), CW)], buf.at[l % 2],
            isem.at[l % 2])

    def dout(l):
        return pltpu.make_async_copy(
            buf.at[l % 2], o_hbm.at[pl.ds(r0, RPW), pl.ds(_co(l), CW)],
            osem.at[l % 2])

    def lin():
        return pltpu.make_async_copy(
            q_hbm.at[pl.ds(r0, RPW), pl.ds(K - LASTW, LASTW)],
            lastbuf, lsem.at[0])

    def lout():
        return pltpu.make_async_copy(
            lastbuf, o_hbm.at[pl.ds(r0, RPW), pl.ds(K - LASTW, LASTW)],
            lsem.at[1])

    din(0).start()
    for l in range(NL):
        if l + 1 < NL:
            if l >= 1:
                dout(l - 1).wait()
            din(l + 1).start()
        din(l).wait()
        dout(l).start()
    dout(NL - 2).wait()

    @pl.when(ch == 0)
    def _():
        din(NL).start()
        din(NL).wait()
        dout(NL).start()
        dout(NL).wait()

    @pl.when(ch == 1)
    def _():
        lin().start()
        lin().wait()
        lout().start()
        lout().wait()

    dout(NL - 1).wait()


_sc_copy = functools.partial(
    pl.kernel,
    out_type=jax.ShapeDtypeStruct((DIM, K), jnp.float32),
    mesh=plsc.VectorSubcoreMesh(core_axis_name="c", subcore_axis_name="s"),
    scratch_types=[
        pltpu.VMEM((2, RPW, CW), jnp.float32),
        pltpu.VMEM((RPW, LASTW), jnp.float32),
        pltpu.SemaphoreType.DMA((2,)),
        pltpu.SemaphoreType.DMA((2,)),
        pltpu.SemaphoreType.DMA((2,)),
    ],
)(_sc_copy_body)


def _xpose_body(k_ref, _, o_ref):
    o_ref[...] = k_ref[...].T


def kernel(keys, queue):
    tail = _sc_copy(queue)

    new_queue = pl.pallas_call(
        _xpose_body,
        grid=(NTBLK,),
        in_specs=[
            pl.BlockSpec((TBLK, DIM), lambda i: (i, 0)),
            pl.BlockSpec(memory_space=pl.ANY),
        ],
        out_specs=pl.BlockSpec((DIM, TBLK), lambda i: (0, i)),
        out_shape=jax.ShapeDtypeStruct((DIM, K), jnp.float32),
        input_output_aliases={1: 0},
    )(keys, tail)

    new_ptr = jnp.array([BATCH % K], dtype=jnp.int32)
    return new_queue, new_ptr

# --- scband reference (transcript-rebuilt; emitter-appended) ---
"""Pipeline reference for scband-memory-12945031431005 (READ-ONLY COPY).

The authoritative reference and input builder live on the scoring server;
editing this copy changes nothing except your own understanding.
"""

import jax, jax.numpy as jnp
import numpy as np

DIM = 128
K = 100000
BATCH = 16384

def setup_inputs(seed: int = 0) -> dict:
    key = jax.random.key(seed)
    k1, k2 = jax.random.split(key)
    keys = jax.random.normal(k1, (BATCH, DIM), dtype=jnp.float32)
    queue = jax.random.normal(k2, (DIM, K), dtype=jnp.float32)
    return {"keys": keys, "queue": queue}

def reference(keys, queue):
    # Faithful translation of Memory._dequeue_and_enqueue with queue_ptr starting at 0.
    batch_size = keys.shape[0]
    Kq = queue.shape[1]
    ptr = 0
    if ptr + batch_size > Kq:
        ptr = Kq - batch_size
    # queue[:, ptr:ptr+batch_size] = keys.T  (scatter-overwrite into the memory buffer)
    new_queue = jax.lax.dynamic_update_slice(queue, keys.T, (0, ptr))
    new_ptr = jnp.array([(ptr + batch_size) % Kq], dtype=jnp.int64 if jax.config.jax_enable_x64 else jnp.int32)
    return new_queue, new_ptr

if __name__ == "__main__":
    import jax
    _d = setup_inputs()
    print(jax.jit(kernel)(*tuple(_d.values())))

</pallas_src>

<mosaic_0001>
#map = affine_map<(d0, d1) -> (0, 0)>
module attributes {stable_mosaic.version = 14 : i64} {
  func.func @_sc_copy_body(%arg0: i32, %arg1: i32, %arg2: memref<128x100000xf32, #tpu.memory_space<hbm>>, %arg3: memref<128x100000xf32, #tpu.memory_space<hbm>>, %arg4: memref<2x8x3840xf32, #tpu.memory_space<vmem>>, %arg5: memref<8x2976xf32, #tpu.memory_space<vmem>>, %arg6: memref<2x!tpu.dma_semaphore, #tpu.memory_space<semaphore_mem>>, %arg7: memref<2x!tpu.dma_semaphore, #tpu.memory_space<semaphore_mem>>, %arg8: memref<2x!tpu.dma_semaphore, #tpu.memory_space<semaphore_mem>>) attributes {dimension_semantics = [#tpu.dimension_semantics<core_parallel>, #tpu.dimension_semantics<subcore_parallel>], iteration_bounds = array<i64: 2, 16>, scalar_prefetch = 0 : i64, scratch_operands = 5 : i64, tpu.core_type = #tpu.core_type<sc_vector_subcore>, window_params = [{transform_indices = #map}, {transform_indices = #map}]} {
    %mul3A = arith.constant 8 : i32
    %mul3A_0 = arith.muli %arg1, %mul3A : i32
    %multiple_of3A = tpu.assume_multiple %mul3A_0, 8 : i32
    %add3A = arith.constant 0 : i32
    %add3A_1 = arith.addi %add3A, %arg0 : i32
    %mul3A_2 = arith.constant 3840 : i32
    %mul3A_3 = arith.muli %add3A_1, %mul3A_2 : i32
    %add3A_4 = arith.constant 16384 : i32
    %add3A_5 = arith.addi %add3A_4, %mul3A_3 : i32
    %multiple_of3A_6 = tpu.assume_multiple %add3A_5, 128 : i32
    %dma_start3A = arith.constant 0 : i32
    %dma_start3A_7 = arith.constant 0 : i32
    %dma_start3A_8 = arith.constant 0 : i32
    %dma_start3A_9 = arith.constant 0 : i32
    %dma_start3A_10 = tpu.memref_slice %arg4[%dma_start3A, %dma_start3A_8, %dma_start3A_9] : memref<2x8x3840xf32, #tpu.memory_space<vmem>> -> memref<1x8x3840xf32, #tpu.memory_space<vmem>>
    %dma_start3A_11 = tpu.memref_squeeze %dma_start3A_10 : memref<1x8x3840xf32, #tpu.memory_space<vmem>> -> memref<8x3840xf32, #tpu.memory_space<vmem>>
    %dma_start3A_12 = tpu.memref_slice %arg2[%multiple_of3A, %multiple_of3A_6] : memref<128x100000xf32, #tpu.memory_space<hbm>> -> memref<8x3840xf32, #tpu.memory_space<hbm>>
    %dma_start3A_13 = tpu.memref_slice %arg6[%dma_start3A_7] : memref<2x!tpu.dma_semaphore, #tpu.memory_space<semaphore_mem>> -> memref<1x!tpu.dma_semaphore, #tpu.memory_space<semaphore_mem>>
    %dma_start3A_14 = tpu.memref_squeeze %dma_start3A_13 : memref<1x!tpu.dma_semaphore, #tpu.memory_space<semaphore_mem>> -> memref<!tpu.dma_semaphore, #tpu.memory_space<semaphore_mem>>
    %dma_start3A_15 = arith.constant 0 : i32
    %dma_start3A_16 = arith.constant 0 : i32
    %dma_start3A_17 = tpu.memref_slice %arg4[%dma_start3A, %dma_start3A_15, %dma_start3A_16] : memref<2x8x3840xf32, #tpu.memory_space<vmem>> -> memref<1x8x3840xf32, #tpu.memory_space<vmem>>
    %dma_start3A_18 = tpu.memref_squeeze %dma_start3A_17 : memref<1x8x3840xf32, #tpu.memory_space<vmem>> -> memref<8x3840xf32, #tpu.memory_space<vmem>>
    %dma_start3A_19 = tpu.memref_slice %arg2[%multiple_of3A, %multiple_of3A_6] : memref<128x100000xf32, #tpu.memory_space<hbm>> -> memref<8x3840xf32, #tpu.memory_space<hbm>>
    tpu.enqueue_dma source(%dma_start3A_19 : memref<8x3840xf32, #tpu.memory_space<hbm>>) target(%dma_start3A_18 : memref<8x3840xf32, #tpu.memory_space<vmem>>) target_semaphore(%dma_start3A_14 : memref<!tpu.dma_semaphore, #tpu.memory_space<semaphore_mem>>)
    %add3A_20 = arith.constant 2 : i32
    %add3A_21 = arith.addi %add3A_20, %arg0 : i32
    %mul3A_22 = arith.constant 3840 : i32
    %mul3A_23 = arith.muli %add3A_21, %mul3A_22 : i32
    %add3A_24 = arith.constant 16384 : i32
    %add3A_25 = arith.addi %add3A_24, %mul3A_23 : i32
    %multiple_of3A_26 = tpu.assume_multiple %add3A_25, 128 : i32
    %dma_start3A_27 = arith.constant 1 : i32
    %dma_start3A_28 = arith.constant 1 : i32
    %dma_start3A_29 = arith.constant 0 : i32
    %dma_start3A_30 = arith.constant 0 : i32
    %dma_start3A_31 = tpu.memref_slice %arg4[%dma_start3A_27, %dma_start3A_29, %dma_start3A_30] : memref<2x8x3840xf32, #tpu.memory_space<vmem>> -> memref<1x8x3840xf32, #tpu.memory_space<vmem>>
    %dma_start3A_32 = tpu.memref_squeeze %dma_start3A_31 : memref<1x8x3840xf32, #tpu.memory_space<vmem>> -> memref<8x3840xf32, #tpu.memory_space<vmem>>
    %dma_start3A_33 = tpu.memref_slice %arg2[%multiple_of3A, %multiple_of3A_26] : memref<128x100000xf32, #tpu.memory_space<hbm>> -> memref<8x3840xf32, #tpu.memory_space<hbm>>
    %dma_start3A_34 = tpu.memref_slice %arg6[%dma_start3A_28] : memref<2x!tpu.dma_semaphore, #tpu.memory_space<semaphore_mem>> -> memref<1x!tpu.dma_semaphore, #tpu.memory_space<semaphore_mem>>
    %dma_start3A_35 = tpu.memref_squeeze %dma_start3A_34 : memref<1x!tpu.dma_semaphore, #tpu.memory_space<semaphore_mem>> -> memref<!tpu.dma_semaphore, #tpu.memory_space<semaphore_mem>>
    %dma_start3A_36 = arith.constant 0 : i32
    %dma_start3A_37 = arith.constant 0 : i32
    %dma_start3A_38 = tpu.memref_slice %arg4[%dma_start3A_27, %dma_start3A_36, %dma_start3A_37] : memref<2x8x3840xf32, #tpu.memory_space<vmem>> -> memref<1x8x3840xf32, #tpu.memory_space<vmem>>
    %dma_start3A_39 = tpu.memref_squeeze %dma_start3A_38 : memref<1x8x3840xf32, #tpu.memory_space<vmem>> -> memref<8x3840xf32, #tpu.memory_space<vmem>>
    %dma_start3A_40 = tpu.memref_slice %arg2[%multiple_of3A, %multiple_of3A_26] : memref<128x100000xf32, #tpu.memory_space<hbm>> -> memref<8x3840xf32, #tpu.memory_space<hbm>>
    tpu.enqueue_dma source(%dma_start3A_40 : memref<8x3840xf32, #tpu.memory_space<hbm>>) target(%dma_start3A_39 : memref<8x3840xf32, #tpu.memory_space<vmem>>) target_semaphore(%dma_start3A_35 : memref<!tpu.dma_semaphore, #tpu.memory_space<semaphore_mem>>)
    %add3A_41 = arith.constant 0 : i32
    %add3A_42 = arith.addi %add3A_41, %arg0 : i32
    %mul3A_43 = arith.constant 3840 : i32
    %mul3A_44 = arith.muli %add3A_42, %mul3A_43 : i32
    %add3A_45 = arith.constant 16384 : i32
    %add3A_46 = arith.addi %add3A_45, %mul3A_44 : i32
    %multiple_of3A_47 = tpu.assume_multiple %add3A_46, 128 : i32
    %dma_wait3A = arith.constant 0 : i32
    %dma_wait3A_48 = arith.constant 0 : i32
    %dma_wait3A_49 = arith.constant 0 : i32
    %dma_wait3A_50 = arith.constant 0 : i32
    %dma_wait3A_51 = tpu.memref_slice %arg4[%dma_wait3A, %dma_wait3A_49, %dma_wait3A_50] : memref<2x8x3840xf32, #tpu.memory_space<vmem>> -> memref<1x8x3840xf32, #tpu.memory_space<vmem>>
    %dma_wait3A_52 = tpu.memref_squeeze %dma_wait3A_51 : memref<1x8x3840xf32, #tpu.memory_space<vmem>> -> memref<8x3840xf32, #tpu.memory_space<vmem>>
    %dma_wait3A_53 = tpu.memref_slice %arg2[%multiple_of3A, %multiple_of3A_47] : memref<128x100000xf32, #tpu.memory_space<hbm>> -> memref<8x3840xf32, #tpu.memory_space<hbm>>
    %dma_wait3A_54 = tpu.memref_slice %arg6[%dma_wait3A_48] : memref<2x!tpu.dma_semaphore, #tpu.memory_space<semaphore_mem>> -> memref<1x!tpu.dma_semaphore, #tpu.memory_space<semaphore_mem>>
    %dma_wait3A_55 = tpu.memref_squeeze %dma_wait3A_54 : memref<1x!tpu.dma_semaphore, #tpu.memory_space<semaphore_mem>> -> memref<!tpu.dma_semaphore, #tpu.memory_space<semaphore_mem>>
    %dma_wait3A_56 = arith.constant 0 : i32
    %dma_wait3A_57 = arith.constant 0 : i32
    %dma_wait3A_58 = tpu.memref_slice %arg4[%dma_wait3A, %dma_wait3A_56, %dma_wait3A_57] : memref<2x8x3840xf32, #tpu.memory_space<vmem>> -> memref<1x8x3840xf32, #tpu.memory_space<vmem>>
    %dma_wait3A_59 = tpu.memref_squeeze %dma_wait3A_58 : memref<1x8x3840xf32, #tpu.memory_space<vmem>> -> memref<8x3840xf32, #tpu.memory_space<vmem>>
    %dma_wait3A_60 = tpu.memref_slice %arg2[%multiple_of3A, %multiple_of3A_47] : memref<128x100000xf32, #tpu.memory_space<hbm>> -> memref<8x3840xf32, #tpu.memory_space<hbm>>
    tpu.wait_dma2 semaphore(%dma_wait3A_55 : memref<!tpu.dma_semaphore, #tpu.memory_space<semaphore_mem>>) src(%dma_wait3A_60 : memref<8x3840xf32, #tpu.memory_space<hbm>>) dst(%dma_wait3A_59 : memref<8x3840xf32, #tpu.memory_space<vmem>>)
    %add3A_61 = arith.constant 0 : i32
    %add3A_62 = arith.addi %add3A_61, %arg0 : i32
    %mul3A_63 = arith.constant 3840 : i32
    %mul3A_64 = arith.muli %add3A_62, %mul3A_63 : i32
    %add3A_65 = arith.constant 16384 : i32
    %add3A_66 = arith.addi %add3A_65, %mul3A_64 : i32
    %multiple_of3A_67 = tpu.assume_multiple %add3A_66, 128 : i32
    %dma_start3A_68 = arith.constant 0 : i32
    %dma_start3A_69 = arith.constant 0 : i32
    %dma_start3A_70 = arith.constant 0 : i32
    %dma_start3A_71 = arith.constant 0 : i32
    %dma_start3A_72 = tpu.memref_slice %arg4[%dma_start3A_68, %dma_start3A_70, %dma_start3A_71] : memref<2x8x3840xf32, #tpu.memory_space<vmem>> -> memref<1x8x3840xf32, #tpu.memory_space<vmem>>
    %dma_start3A_73 = tpu.memref_squeeze %dma_start3A_72 : memref<1x8x3840xf32, #tpu.memory_space<vmem>> -> memref<8x3840xf32, #tpu.memory_space<vmem>>
    %dma_start3A_74 = tpu.memref_slice %arg3[%multiple_of3A, %multiple_of3A_67] : memref<128x100000xf32, #tpu.memory_space<hbm>> -> memref<8x3840xf32, #tpu.memory_space<hbm>>
    %dma_start3A_75 = tpu.memref_slice %arg7[%dma_start3A_69] : memref<2x!tpu.dma_semaphore, #tpu.memory_space<semaphore_mem>> -> memref<1x!tpu.dma_semaphore, #tpu.memory_space<semaphore_mem>>
    %dma_start3A_76 = tpu.memref_squeeze %dma_start3A_75 : memref<1x!tpu.dma_semaphore, #tpu.memory_space<semaphore_mem>> -> memref<!tpu.dma_semaphore, #tpu.memory_space<semaphore_mem>>
    %dma_start3A_77 = tpu.memref_slice %arg3[%multiple_of3A, %multiple_of3A_67] : memref<128x100000xf32, #tpu.memory_space<hbm>> -> memref<8x3840xf32, #tpu.memory_space<hbm>>
    %dma_start3A_78 = arith.constant 0 : i32
    %dma_start3A_79 = arith.constant 0 : i32
    %dma_start3A_80 = tpu.memref_slice %arg4[%dma_start3A_68, %dma_start3A_78, %dma_start3A_79] : memref<2x8x3840xf32, #tpu.memory_space<vmem>> -> memref<1x8x3840xf32, #tpu.memory_space<vmem>>
    %dma_start3A_81 = tpu.memref_squeeze %dma_start3A_80 : memref<1x8x3840xf32, #tpu.memory_space<vmem>> -> memref<8x3840xf32, #tpu.memory_space<vmem>>
    tpu.enqueue_dma source(%dma_start3A_81 : memref<8x3840xf32, #tpu.memory_space<vmem>>) target(%dma_start3A_77 : memref<8x3840xf32, #tpu.memory_space<hbm>>) target_semaphore(%dma_start3A_76 : memref<!tpu.dma_semaphore, #tpu.memory_space<semaphore_mem>>)
    %add3A_82 = arith.constant 0 : i32
    %add3A_83 = arith.addi %add3A_82, %arg0 : i32
    %mul3A_84 = arith.constant 3840 : i32
    %mul3A_85 = arith.muli %add3A_83, %mul3A_84 : i32
    %add3A_86 = arith.constant 16384 : i32
    %add3A_87 = arith.addi %add3A_86, %mul3A_85 : i32
    %multiple_of3A_88 = tpu.assume_multiple %add3A_87, 128 : i32
    %dma_wait3A_89 = arith.constant 0 : i32
    %dma_wait3A_90 = arith.constant 0 : i32
    %dma_wait3A_91 = arith.constant 0 : i32
    %dma_wait3A_92 = arith.constant 0 : i32
    %dma_wait3A_93 = tpu.memref_slice %arg4[%dma_wait3A_89, %dma_wait3A_91, %dma_wait3A_92] : memref<2x8x3840xf32, #tpu.memory_space<vmem>> -> memref<1x8x3840xf32, #tpu.memory_space<vmem>>
    %dma_wait3A_94 = tpu.memref_squeeze %dma_wait3A_93 : memref<1x8x3840xf32, #tpu.memory_space<vmem>> -> memref<8x3840xf32, #tpu.memory_space<vmem>>
    %dma_wait3A_95 = tpu.memref_slice %arg3[%multiple_of3A, %multiple_of3A_88] : memref<128x100000xf32, #tpu.memory_space<hbm>> -> memref<8x3840xf32, #tpu.memory_space<hbm>>
    %dma_wait3A_96 = tpu.memref_slice %arg7[%dma_wait3A_90] : memref<2x!tpu.dma_semaphore, #tpu.memory_space<semaphore_mem>> -> memref<1x!tpu.dma_semaphore, #tpu.memory_space<semaphore_mem>>
    %dma_wait3A_97 = tpu.memref_squeeze %dma_wait3A_96 : memref<1x!tpu.dma_semaphore, #tpu.memory_space<semaphore_mem>> -> memref<!tpu.dma_semaphore, #tpu.memory_space<semaphore_mem>>
    %dma_wait3A_98 = tpu.memref_slice %arg3[%multiple_of3A, %multiple_of3A_88] : memref<128x100000xf32, #tpu.memory_space<hbm>> -> memref<8x3840xf32, #tpu.memory_space<hbm>>
    %dma_wait3A_99 = arith.constant 0 : i32
    %dma_wait3A_100 = arith.constant 0 : i32
    %dma_wait3A_101 = tpu.memref_slice %arg4[%dma_wait3A_89, %dma_wait3A_99, %dma_wait3A_100] : memref<2x8x3840xf32, #tpu.memory_space<vmem>> -> memref<1x8x3840xf32, #tpu.memory_space<vmem>>
    %dma_wait3A_102 = tpu.memref_squeeze %dma_wait3A_101 : memref<1x8x3840xf32, #tpu.memory_space<vmem>> -> memref<8x3840xf32, #tpu.memory_space<vmem>>
    tpu.wait_dma2 semaphore(%dma_wait3A_97 : memref<!tpu.dma_semaphore, #tpu.memory_space<semaphore_mem>>) src(%dma_wait3A_102 : memref<8x3840xf32, #tpu.memory_space<vmem>>) dst(%dma_wait3A_98 : memref<8x3840xf32, #tpu.memory_space<hbm>>)
    %add3A_103 = arith.constant 4 : i32
    %add3A_104 = arith.addi %add3A_103, %arg0 : i32
    %mul3A_105 = arith.constant 3840 : i32
    %mul3A_106 = arith.muli %add3A_104, %mul3A_105 : i32
    %add3A_107 = arith.constant 16384 : i32
    %add3A_108 = arith.addi %add3A_107, %mul3A_106 : i32
    %multiple_of3A_109 = tpu.assume_multiple %add3A_108, 128 : i32
    %dma_start3A_110 = arith.constant 0 : i32
    %dma_start3A_111 = arith.constant 0 : i32
    %dma_start3A_112 = arith.constant 0 : i32
    %dma_start3A_113 = arith.constant 0 : i32
    %dma_start3A_114 = tpu.memref_slice %arg4[%dma_start3A_110, %dma_start3A_112, %dma_start3A_113] : memref<2x8x3840xf32, #tpu.memory_space<vmem>> -> memref<1x8x3840xf32, #tpu.memory_space<vmem>>
    %dma_start3A_115 = tpu.memref_squeeze %dma_start3A_114 : memref<1x8x3840xf32, #tpu.memory_space<vmem>> -> memref<8x3840xf32, #tpu.memory_space<vmem>>
    %dma_start3A_116 = tpu.memref_slice %arg2[%multiple_of3A, %multiple_of3A_109] : memref<128x100000xf32, #tpu.memory_space<hbm>> -> memref<8x3840xf32, #tpu.memory_space<hbm>>
    %dma_start3A_117 = tpu.memref_slice %arg6[%dma_start3A_111] : memref<2x!tpu.dma_semaphore, #tpu.memory_space<semaphore_mem>> -> memref<1x!tpu.dma_semaphore, #tpu.memory_space<semaphore_mem>>
    %dma_start3A_118 = tpu.memref_squeeze %dma_start3A_117 : memref<1x!tpu.dma_semaphore, #tpu.memory_space<semaphore_mem>> -> memref<!tpu.dma_semaphore, #tpu.memory_space<semaphore_mem>>
    %dma_start3A_119 = arith.constant 0 : i32
    %dma_start3A_120 = arith.constant 0 : i32
    %dma_start3A_121 = tpu.memref_slice %arg4[%dma_start3A_110, %dma_start3A_119, %dma_start3A_120] : memref<2x8x3840xf32, #tpu.memory_space<vmem>> -> memref<1x8x3840xf32, #tpu.memory_space<vmem>>
    %dma_start3A_122 = tpu.memref_squeeze %dma_start3A_121 : memref<1x8x3840xf32, #tpu.memory_space<vmem>> -> memref<8x3840xf32, #tpu.memory_space<vmem>>
    %dma_start3A_123 = tpu.memref_slice %arg2[%multiple_of3A, %multiple_of3A_109] : memref<128x100000xf32, #tpu.memory_space<hbm>> -> memref<8x3840xf32, #tpu.memory_space<hbm>>
    tpu.enqueue_dma source(%dma_start3A_123 : memref<8x3840xf32, #tpu.memory_space<hbm>>) target(%dma_start3A_122 : memref<8x3840xf32, #tpu.memory_space<vmem>>) target_semaphore(%dma_start3A_118 : memref<!tpu.dma_semaphore, #tpu.memory_space<semaphore_mem>>)
    %add3A_124 = arith.constant 2 : i32
    %add3A_125 = arith.addi %add3A_124, %arg0 : i32
    %mul3A_126 = arith.constant 3840 : i32
    %mul3A_127 = arith.muli %add3A_125, %mul3A_126 : i32
    %add3A_128 = arith.constant 16384 : i32
    %add3A_129 = arith.addi %add3A_128, %mul3A_127 : i32
    %multiple_of3A_130 = tpu.assume_multiple %add3A_129, 128 : i32
    %dma_wait3A_131 = arith.constant 1 : i32
    %dma_wait3A_132 = arith.constant 1 : i32
    %dma_wait3A_133 = arith.constant 0 : i32
    %dma_wait3A_134 = arith.constant 0 : i32
    %dma_wait3A_135 = tpu.memref_slice %arg4[%dma_wait3A_131, %dma_wait3A_133, %dma_wait3A_134] : memref<2x8x3840xf32, #tpu.memory_space<vmem>> -> memref<1x8x3840xf32, #tpu.memory_space<vmem>>
    %dma_wait3A_136 = tpu.memref_squeeze %dma_wait3A_135 : memref<1x8x3840xf32, #tpu.memory_space<vmem>> -> memref<8x3840xf32, #tpu.memory_space<vmem>>
    %dma_wait3A_137 = tpu.memref_slice %arg2[%multiple_of3A, %multiple_of3A_130] : memref<128x100000xf32, #tpu.memory_space<hbm>> -> memref<8x3840xf32, #tpu.memory_space<hbm>>
    %dma_wait3A_138 = tpu.memref_slice %arg6[%dma_wait3A_132] : memref<2x!tpu.dma_semaphore, #tpu.memory_space<semaphore_mem>> -> memref<1x!tpu.dma_semaphore, #tpu.memory_space<semaphore_mem>>
    %dma_wait3A_139 = tpu.memref_squeeze %dma_wait3A_138 : memref<1x!tpu.dma_semaphore, #tpu.memory_space<semaphore_mem>> -> memref<!tpu.dma_semaphore, #tpu.memory_space<semaphore_mem>>
    %dma_wait3A_140 = arith.constant 0 : i32
    %dma_wait3A_141 = arith.constant 0 : i32
    %dma_wait3A_142 = tpu.memref_slice %arg4[%dma_wait3A_131, %dma_wait3A_140, %dma_wait3A_141] : memref<2x8x3840xf32, #tpu.memory_space<vmem>> -> memref<1x8x3840xf32, #tpu.memory_space<vmem>>
    %dma_wait3A_143 = tpu.memref_squeeze %dma_wait3A_142 : memref<1x8x3840xf32, #tpu.memory_space<vmem>> -> memref<8x3840xf32, #tpu.memory_space<vmem>>
    %dma_wait3A_144 = tpu.memref_slice %arg2[%multiple_of3A, %multiple_of3A_130] : memref<128x100000xf32, #tpu.memory_space<hbm>> -> memref<8x3840xf32, #tpu.memory_space<hbm>>
    tpu.wait_dma2 semaphore(%dma_wait3A_139 : memref<!tpu.dma_semaphore, #tpu.memory_space<semaphore_mem>>) src(%dma_wait3A_144 : memref<8x3840xf32, #tpu.memory_space<hbm>>) dst(%dma_wait3A_143 : memref<8x3840xf32, #tpu.memory_space<vmem>>)
    %add3A_145 = arith.constant 2 : i32
    %add3A_146 = arith.addi %add3A_145, %arg0 : i32
    %mul3A_147 = arith.constant 3840 : i32
    %mul3A_148 = arith.muli %add3A_146, %mul3A_147 : i32
    %add3A_149 = arith.constant 16384 : i32
    %add3A_150 = arith.addi %add3A_149, %mul3A_148 : i32
    %multiple_of3A_151 = tpu.assume_multiple %add3A_150, 128 : i32
    %dma_start3A_152 = arith.constant 1 : i32
    %dma_start3A_153 = arith.constant 1 : i32
    %dma_start3A_154 = arith.constant 0 : i32
    %dma_start3A_155 = arith.constant 0 : i32
    %dma_start3A_156 = tpu.memref_slice %arg4[%dma_start3A_152, %dma_start3A_154, %dma_start3A_155] : memref<2x8x3840xf32, #tpu.memory_space<vmem>> -> memref<1x8x3840xf32, #tpu.memory_space<vmem>>
    %dma_start3A_157 = tpu.memref_squeeze %dma_start3A_156 : memref<1x8x3840xf32, #tpu.memory_space<vmem>> -> memref<8x3840xf32, #tpu.memory_space<vmem>>
    %dma_start3A_158 = tpu.memref_slice %arg3[%multiple_of3A, %multiple_of3A_151] : memref<128x100000xf32, #tpu.memory_space<hbm>> -> memref<8x3840xf32, #tpu.memory_space<hbm>>
    %dma_start3A_159 = tpu.memref_slice %arg7[%dma_start3A_153] : memref<2x!tpu.dma_semaphore, #tpu.memory_space<semaphore_mem>> -> memref<1x!tpu.dma_semaphore, #tpu.memory_space<semaphore_mem>>
    %dma_start3A_160 = tpu.memref_squeeze %dma_start3A_159 : memref<1x!tpu.dma_semaphore, #tpu.memory_space<semaphore_mem>> -> memref<!tpu.dma_semaphore, #tpu.memory_space<semaphore_mem>>
    %dma_start3A_161 = tpu.memref_slice %arg3[%multiple_of3A, %multiple_of3A_151] : memref<128x100000xf32, #tpu.memory_space<hbm>> -> memref<8x3840xf32, #tpu.memory_space<hbm>>
    %dma_start3A_162 = arith.constant 0 : i32
    %dma_start3A_163 = arith.constant 0 : i32
    %dma_start3A_164 = tpu.memref_slice %arg4[%dma_start3A_152, %dma_start3A_162, %dma_start3A_163] : memref<2x8x3840xf32, #tpu.memory_space<vmem>> -> memref<1x8x3840xf32, #tpu.memory_space<vmem>>
    %dma_start3A_165 = tpu.memref_squeeze %dma_start3A_164 : memref<1x8x3840xf32, #tpu.memory_space<vmem>> -> memref<8x3840xf32, #tpu.memory_space<vmem>>
    tpu.enqueue_dma source(%dma_start3A_165 : memref<8x3840xf32, #tpu.memory_space<vmem>>) target(%dma_start3A_161 : memref<8x3840xf32, #tpu.memory_space<hbm>>) target_semaphore(%dma_start3A_160 : memref<!tpu.dma_semaphore, #tpu.memory_space<semaphore_mem>>)
    %add3A_166 = arith.constant 2 : i32
    %add3A_167 = arith.addi %add3A_166, %arg0 : i32
    %mul3A_168 = arith.constant 3840 : i32
    %mul3A_169 = arith.muli %add3A_167, %mul3A_168 : i32
    %add3A_170 = arith.constant 16384 : i32
    %add3A_171 = arith.addi %add3A_170, %mul3A_169 : i32
    %multiple_of3A_172 = tpu.assume_multiple %add3A_171, 128 : i32
    %dma_wait3A_173 = arith.constant 1 : i32
    %dma_wait3A_174 = arith.constant 1 : i32
    %dma_wait3A_175 = arith.constant 0 : i32
    %dma_wait3A_176 = arith.constant 0 : i32
    %dma_wait3A_177 = tpu.memref_slice %arg4[%dma_wait3A_173, %dma_wait3A_175, %dma_wait3A_176] : memref<2x8x3840xf32, #tpu.memory_space<vmem>> -> memref<1x8x3840xf32, #tpu.memory_space<vmem>>
    %dma_wait3A_178 = tpu.memref_squeeze %dma_wait3A_177 : memref<1x8x3840xf32, #tpu.memory_space<vmem>> -> memref<8x3840xf32, #tpu.memory_space<vmem>>
    %dma_wait3A_179 = tpu.memref_slice %arg3[%multiple_of3A, %multiple_of3A_172] : memref<128x100000xf32, #tpu.memory_space<hbm>> -> memref<8x3840xf32, #tpu.memory_space<hbm>>
    %dma_wait3A_180 = tpu.memref_slice %arg7[%dma_wait3A_174] : memref<2x!tpu.dma_semaphore, #tpu.memory_space<semaphore_mem>> -> memref<1x!tpu.dma_semaphore, #tpu.memory_space<semaphore_mem>>
    %dma_wait3A_181 = tpu.memref_squeeze %dma_wait3A_180 : memref<1x!tpu.dma_semaphore, #tpu.memory_space<semaphore_mem>> -> memref<!tpu.dma_semaphore, #tpu.memory_space<semaphore_mem>>
    %dma_wait3A_182 = tpu.memref_slice %arg3[%multiple_of3A, %multiple_of3A_172] : memref<128x100000xf32, #tpu.memory_space<hbm>> -> memref<8x3840xf32, #tpu.memory_space<hbm>>
    %dma_wait3A_183 = arith.constant 0 : i32
    %dma_wait3A_184 = arith.constant 0 : i32
    %dma_wait3A_185 = tpu.memref_slice %arg4[%dma_wait3A_173, %dma_wait3A_183, %dma_wait3A_184] : memref<2x8x3840xf32, #tpu.memory_space<vmem>> -> memref<1x8x3840xf32, #tpu.memory_space<vmem>>
    %dma_wait3A_186 = tpu.memref_squeeze %dma_wait3A_185 : memref<1x8x3840xf32, #tpu.memory_space<vmem>> -> memref<8x3840xf32, #tpu.memory_space<vmem>>
    tpu.wait_dma2 semaphore(%dma_wait3A_181 : memref<!tpu.dma_semaphore, #tpu.memory_space<semaphore_mem>>) src(%dma_wait3A_186 : memref<8x3840xf32, #tpu.memory_space<vmem>>) dst(%dma_wait3A_182 : memref<8x3840xf32, #tpu.memory_space<hbm>>)
    %add3A_187 = arith.constant 6 : i32
    %add3A_188 = arith.addi %add3A_187, %arg0 : i32
    %mul3A_189 = arith.constant 3840 : i32
    %mul3A_190 = arith.muli %add3A_188, %mul3A_189 : i32
    %add3A_191 = arith.constant 16384 : i32
    %add3A_192 = arith.addi %add3A_191, %mul3A_190 : i32
    %multiple_of3A_193 = tpu.assume_multiple %add3A_192, 128 : i32
    %dma_start3A_194 = arith.constant 1 : i32
    %dma_start3A_195 = arith.constant 1 : i32
    %dma_start3A_196 = arith.constant 0 : i32
    %dma_start3A_197 = arith.constant 0 : i32
    %dma_start3A_198 = tpu.memref_slice %arg4[%dma_start3A_194, %dma_start3A_196, %dma_start3A_197] : memref<2x8x3840xf32, #tpu.memory_space<vmem>> -> memref<1x8x3840xf32, #tpu.memory_space<vmem>>
    %dma_start3A_199 = tpu.memref_squeeze %dma_start3A_198 : memref<1x8x3840xf32, #tpu.memory_space<vmem>> -> memref<8x3840xf32, #tpu.memory_space<vmem>>
    %dma_start3A_200 = tpu.memref_slice %arg2[%multiple_of3A, %multiple_of3A_193] : memref<128x100000xf32, #tpu.memory_space<hbm>> -> memref<8x3840xf32, #tpu.memory_space<hbm>>
    %dma_start3A_201 = tpu.memref_slice %arg6[%dma_start3A_195] : memref<2x!tpu.dma_semaphore, #tpu.memory_space<semaphore_mem>> -> memref<1x!tpu.dma_semaphore, #tpu.memory_space<semaphore_mem>>
    %dma_start3A_202 = tpu.memref_squeeze %dma_start3A_201 : memref<1x!tpu.dma_semaphore, #tpu.memory_space<semaphore_mem>> -> memref<!tpu.dma_semaphore, #tpu.memory_space<semaphore_mem>>
    %dma_start3A_203 = arith.constant 0 : i32
    %dma_start3A_204 = arith.constant 0 : i32
    %dma_start3A_205 = tpu.memref_slice %arg4[%dma_start3A_194, %dma_start3A_203, %dma_start3A_204] : memref<2x8x3840xf32, #tpu.memory_space<vmem>> -> memref<1x8x3840xf32, #tpu.memory_space<vmem>>
    %dma_start3A_206 = tpu.memref_squeeze %dma_start3A_205 : memref<1x8x3840xf32, #tpu.memory_space<vmem>> -> memref<8x3840xf32, #tpu.memory_space<vmem>>
    %dma_start3A_207 = tpu.memref_slice %arg2[%multiple_of3A, %multiple_of3A_193] : memref<128x100000xf32, #tpu.memory_space<hbm>> -> memref<8x3840xf32, #tpu.memory_space<hbm>>
    tpu.enqueue_dma source(%dma_start3A_207 : memref<8x3840xf32, #tpu.memory_space<hbm>>) target(%dma_start3A_206 : memref<8x3840xf32, #tpu.memory_space<vmem>>) target_semaphore(%dma_start3A_202 : memref<!tpu.dma_semaphore, #tpu.memory_space<semaphore_mem>>)
    %add3A_208 = arith.constant 4 : i32
    %add3A_209 = arith.addi %add3A_208, %arg0 : i32
    %mul3A_210 = arith.constant 3840 : i32
    %mul3A_211 = arith.muli %add3A_209, %mul3A_210 : i32
    %add3A_212 = arith.constant 16384 : i32
    %add3A_213 = arith.addi %add3A_212, %mul3A_211 : i32
    %multiple_of3A_214 = tpu.assume_multiple %add3A_213, 128 : i32
    %dma_wait3A_215 = arith.constant 0 : i32
    %dma_wait3A_216 = arith.constant 0 : i32
    %dma_wait3A_217 = arith.constant 0 : i32
    %dma_wait3A_218 = arith.constant 0 : i32
    %dma_wait3A_219 = tpu.memref_slice %arg4[%dma_wait3A_215, %dma_wait3A_217, %dma_wait3A_218] : memref<2x8x3840xf32, #tpu.memory_space<vmem>> -> memref<1x8x3840xf32, #tpu.memory_space<vmem>>
    %dma_wait3A_220 = tpu.memref_squeeze %dma_wait3A_219 : memref<1x8x3840xf32, #tpu.memory_space<vmem>> -> memref<8x3840xf32, #tpu.memory_space<vmem>>
    %dma_wait3A_221 = tpu.memref_slice %arg2[%multiple_of3A, %multiple_of3A_214] : memref<128x100000xf32, #tpu.memory_space<hbm>> -> memref<8x3840xf32, #tpu.memory_space<hbm>>
    %dma_wait3A_222 = tpu.memref_slice %arg6[%dma_wait3A_216] : memref<2x!tpu.dma_semaphore, #tpu.memory_space<semaphore_mem>> -> memref<1x!tpu.dma_semaphore, #tpu.memory_space<semaphore_mem>>
    %dma_wait3A_223 = tpu.memref_squeeze %dma_wait3A_222 : memref<1x!tpu.dma_semaphore, #tpu.memory_space<semaphore_mem>> -> memref<!tpu.dma_semaphore, #tpu.memory_space<semaphore_mem>>
    %dma_wait3A_224 = arith.constant 0 : i32
    %dma_wait3A_225 = arith.constant 0 : i32
    %dma_wait3A_226 = tpu.memref_slice %arg4[%dma_wait3A_215, %dma_wait3A_224, %dma_wait3A_225] : memref<2x8x3840xf32, #tpu.memory_space<vmem>> -> memref<1x8x3840xf32, #tpu.memory_space<vmem>>
    %dma_wait3A_227 = tpu.memref_squeeze %dma_wait3A_226 : memref<1x8x3840xf32, #tpu.memory_space<vmem>> -> memref<8x3840xf32, #tpu.memory_space<vmem>>
    %dma_wait3A_228 = tpu.memref_slice %arg2[%multiple_of3A, %multiple_of3A_214] : memref<128x100000xf32, #tpu.memory_space<hbm>> -> memref<8x3840xf32, #tpu.memory_space<hbm>>
    tpu.wait_dma2 semaphore(%dma_wait3A_223 : memref<!tpu.dma_semaphore, #tpu.memory_space<semaphore_mem>>) src(%dma_wait3A_228 : memref<8x3840xf32, #tpu.memory_space<hbm>>) dst(%dma_wait3A_227 : memref<8x3840xf32, #tpu.memory_space<vmem>>)
    %add3A_229 = arith.constant 4 : i32
    %add3A_230 = arith.addi %add3A_229, %arg0 : i32
    %mul3A_231 = arith.constant 3840 : i32
    %mul3A_232 = arith.muli %add3A_230, %mul3A_231 : i32
    %add3A_233 = arith.constant 16384 : i32
    %add3A_234 = arith.addi %add3A_233, %mul3A_232 : i32
    %multiple_of3A_235 = tpu.assume_multiple %add3A_234, 128 : i32
    %dma_start3A_236 = arith.constant 0 : i32
    %dma_start3A_237 = arith.constant 0 : i32
    %dma_start3A_238 = arith.constant 0 : i32
    %dma_start3A_239 = arith.constant 0 : i32
    %dma_start3A_240 = tpu.memref_slice %arg4[%dma_start3A_236, %dma_start3A_238, %dma_start3A_239] : memref<2x8x3840xf32, #tpu.memory_space<vmem>> -> memref<1x8x3840xf32, #tpu.memory_space<vmem>>
    %dma_start3A_241 = tpu.memref_squeeze %dma_start3A_240 : memref<1x8x3840xf32, #tpu.memory_space<vmem>> -> memref<8x3840xf32, #tpu.memory_space<vmem>>
    %dma_start3A_242 = tpu.memref_slice %arg3[%multiple_of3A, %multiple_of3A_235] : memref<128x100000xf32, #tpu.memory_space<hbm>> -> memref<8x3840xf32, #tpu.memory_space<hbm>>
    %dma_start3A_243 = tpu.memref_slice %arg7[%dma_start3A_237] : memref<2x!tpu.dma_semaphore, #tpu.memory_space<semaphore_mem>> -> memref<1x!tpu.dma_semaphore, #tpu.memory_space<semaphore_mem>>
    %dma_start3A_244 = tpu.memref_squeeze %dma_start3A_243 : memref<1x!tpu.dma_semaphore, #tpu.memory_space<semaphore_mem>> -> memref<!tpu.dma_semaphore, #tpu.memory_space<semaphore_mem>>
    %dma_start3A_245 = tpu.memref_slice %arg3[%multiple_of3A, %multiple_of3A_235] : memref<128x100000xf32, #tpu.memory_space<hbm>> -> memref<8x3840xf32, #tpu.memory_space<hbm>>
    %dma_start3A_246 = arith.constant 0 : i32
    %dma_start3A_247 = arith.constant 0 : i32
    %dma_start3A_248 = tpu.memref_slice %arg4[%dma_start3A_236, %dma_start3A_246, %dma_start3A_247] : memref<2x8x3840xf32, #tpu.memory_space<vmem>> -> memref<1x8x3840xf32, #tpu.memory_space<vmem>>
    %dma_start3A_249 = tpu.memref_squeeze %dma_start3A_248 : memref<1x8x3840xf32, #tpu.memory_space<vmem>> -> memref<8x3840xf32, #tpu.memory_space<vmem>>
    tpu.enqueue_dma source(%dma_start3A_249 : memref<8x3840xf32, #tpu.memory_space<vmem>>) target(%dma_start3A_245 : memref<8x3840xf32, #tpu.memory_space<hbm>>) target_semaphore(%dma_start3A_244 : memref<!tpu.dma_semaphore, #tpu.memory_space<semaphore_mem>>)
    %add3A_250 = arith.constant 4 : i32
    %add3A_251 = arith.addi %add3A_250, %arg0 : i32
    %mul3A_252 = arith.constant 3840 : i32
    %mul3A_253 = arith.muli %add3A_251, %mul3A_252 : i32
    %add3A_254 = arith.constant 16384 : i32
    %add3A_255 = arith.addi %add3A_254, %mul3A_253 : i32
    %multiple_of3A_256 = tpu.assume_multiple %add3A_255, 128 : i32
    %dma_wait3A_257 = arith.constant 0 : i32
    %dma_wait3A_258 = arith.constant 0 : i32
    %dma_wait3A_259 = arith.constant 0 : i32
    %dma_wait3A_260 = arith.constant 0 : i32
    %dma_wait3A_261 = tpu.memref_slice %arg4[%dma_wait3A_257, %dma_wait3A_259, %dma_wait3A_260] : memref<2x8x3840xf32, #tpu.memory_space<vmem>> -> memref<1x8x3840xf32, #tpu.memory_space<vmem>>
    %dma_wait3A_262 = tpu.memref_squeeze %dma_wait3A_261 : memref<1x8x3840xf32, #tpu.memory_space<vmem>> -> memref<8x3840xf32, #tpu.memory_space<vmem>>
    %dma_wait3A_263 = tpu.memref_slice %arg3[%multiple_of3A, %multiple_of3A_256] : memref<128x100000xf32, #tpu.memory_space<hbm>> -> memref<8x3840xf32, #tpu.memory_space<hbm>>
    %dma_wait3A_264 = tpu.memref_slice %arg7[%dma_wait3A_258] : memref<2x!tpu.dma_semaphore, #tpu.memory_space<semaphore_mem>> -> memref<1x!tpu.dma_semaphore, #tpu.memory_space<semaphore_mem>>
    %dma_wait3A_265 = tpu.memref_squeeze %dma_wait3A_264 : memref<1x!tpu.dma_semaphore, #tpu.memory_space<semaphore_mem>> -> memref<!tpu.dma_semaphore, #tpu.memory_space<semaphore_mem>>
    %dma_wait3A_266 = tpu.memref_slice %arg3[%multiple_of3A, %multiple_of3A_256] : memref<128x100000xf32, #tpu.memory_space<hbm>> -> memref<8x3840xf32, #tpu.memory_space<hbm>>
    %dma_wait3A_267 = arith.constant 0 : i32
    %dma_wait3A_268 = arith.constant 0 : i32
    %dma_wait3A_269 = tpu.memref_slice %arg4[%dma_wait3A_257, %dma_wait3A_267, %dma_wait3A_268] : memref<2x8x3840xf32, #tpu.memory_space<vmem>> -> memref<1x8x3840xf32, #tpu.memory_space<vmem>>
    %dma_wait3A_270 = tpu.memref_squeeze %dma_wait3A_269 : memref<1x8x3840xf32, #tpu.memory_space<vmem>> -> memref<8x3840xf32, #tpu.memory_space<vmem>>
    tpu.wait_dma2 semaphore(%dma_wait3A_265 : memref<!tpu.dma_semaphore, #tpu.memory_space<semaphore_mem>>) src(%dma_wait3A_270 : memref<8x3840xf32, #tpu.memory_space<vmem>>) dst(%dma_wait3A_266 : memref<8x3840xf32, #tpu.memory_space<hbm>>)
    %add3A_271 = arith.constant 8 : i32
    %add3A_272 = arith.addi %add3A_271, %arg0 : i32
    %mul3A_273 = arith.constant 3840 : i32
    %mul3A_274 = arith.muli %add3A_272, %mul3A_273 : i32
    %add3A_275 = arith.constant 16384 : i32
    %add3A_276 = arith.addi %add3A_275, %mul3A_274 : i32
    %multiple_of3A_277 = tpu.assume_multiple %add3A_276, 128 : i32
    %dma_start3A_278 = arith.constant 0 : i32
    %dma_start3A_279 = arith.constant 0 : i32
    %dma_start3A_280 = arith.constant 0 : i32
    %dma_start3A_281 = arith.constant 0 : i32
    %dma_start3A_282 = tpu.memref_slice %arg4[%dma_start3A_278, %dma_start3A_280, %dma_start3A_281] : memref<2x8x3840xf32, #tpu.memory_space<vmem>> -> memref<1x8x3840xf32, #tpu.memory_space<vmem>>
    %dma_start3A_283 = tpu.memref_squeeze %dma_start3A_282 : memref<1x8x3840xf32, #tpu.memory_space<vmem>> -> memref<8x3840xf32, #tpu.memory_space<vmem>>
    %dma_start3A_284 = tpu.memref_slice %arg2[%multiple_of3A, %multiple_of3A_277] : memref<128x100000xf32, #tpu.memory_space<hbm>> -> memref<8x3840xf32, #tpu.memory_space<hbm>>
    %dma_start3A_285 = tpu.memref_slice %arg6[%dma_start3A_279] : memref<2x!tpu.dma_semaphore, #tpu.memory_space<semaphore_mem>> -> memref<1x!tpu.dma_semaphore, #tpu.memory_space<semaphore_mem>>
    %dma_start3A_286 = tpu.memref_squeeze %dma_start3A_285 : memref<1x!tpu.dma_semaphore, #tpu.memory_space<semaphore_mem>> -> memref<!tpu.dma_semaphore, #tpu.memory_space<semaphore_mem>>
    %dma_start3A_287 = arith.constant 0 : i32
    %dma_start3A_288 = arith.constant 0 : i32
    %dma_start3A_289 = tpu.memref_slice %arg4[%dma_start3A_278, %dma_start3A_287, %dma_start3A_288] : memref<2x8x3840xf32, #tpu.memory_space<vmem>> -> memref<1x8x3840xf32, #tpu.memory_space<vmem>>
    %dma_start3A_290 = tpu.memref_squeeze %dma_start3A_289 : memref<1x8x3840xf32, #tpu.memory_space<vmem>> -> memref<8x3840xf32, #tpu.memory_space<vmem>>
    %dma_start3A_291 = tpu.memref_slice %arg2[%multiple_of3A, %multiple_of3A_277] : memref<128x100000xf32, #tpu.memory_space<hbm>> -> memref<8x3840xf32, #tpu.memory_space<hbm>>
    tpu.enqueue_dma source(%dma_start3A_291 : memref<8x3840xf32, #tpu.memory_space<hbm>>) target(%dma_start3A_290 : memref<8x3840xf32, #tpu.memory_space<vmem>>) target_semaphore(%dma_start3A_286 : memref<!tpu.dma_semaphore, #tpu.memory_space<semaphore_mem>>)
    %add3A_292 = arith.constant 6 : i32
    %add3A_293 = arith.addi %add3A_292, %arg0 : i32
    %mul3A_294 = arith.constant 3840 : i32
    %mul3A_295 = arith.muli %add3A_293, %mul3A_294 : i32
    %add3A_296 = arith.constant 16384 : i32
    %add3A_297 = arith.addi %add3A_296, %mul3A_295 : i32
    %multiple_of3A_298 = tpu.assume_multiple %add3A_297, 128 : i32
    %dma_wait3A_299 = arith.constant 1 : i32
    %dma_wait3A_300 = arith.constant 1 : i32
    %dma_wait3A_301 = arith.constant 0 : i32
    %dma_wait3A_302 = arith.constant 0 : i32
    %dma_wait3A_303 = tpu.memref_slice %arg4[%dma_wait3A_299, %dma_wait3A_301, %dma_wait3A_302] : memref<2x8x3840xf32, #tpu.memory_space<vmem>> -> memref<1x8x3840xf32, #tpu.memory_space<vmem>>
    %dma_wait3A_304 = tpu.memref_squeeze %dma_wait3A_303 : memref<1x8x3840xf32, #tpu.memory_space<vmem>> -> memref<8x3840xf32, #tpu.memory_space<vmem>>
    %dma_wait3A_305 = tpu.memref_slice %arg2[%multiple_of3A, %multiple_of3A_298] : memref<128x100000xf32, #tpu.memory_space<hbm>> -> memref<8x3840xf32, #tpu.memory_space<hbm>>
    %dma_wait3A_306 = tpu.memref_slice %arg6[%dma_wait3A_300] : memref<2x!tpu.dma_semaphore, #tpu.memory_space<semaphore_mem>> -> memref<1x!tpu.dma_semaphore, #tpu.memory_space<semaphore_mem>>
    %dma_wait3A_307 = tpu.memref_squeeze %dma_wait3A_306 : memref<1x!tpu.dma_semaphore, #tpu.memory_space<semaphore_mem>> -> memref<!tpu.dma_semaphore, #tpu.memory_space<semaphore_mem>>
    %dma_wait3A_308 = arith.constant 0 : i32
    %dma_wait3A_309 = arith.constant 0 : i32
    %dma_wait3A_310 = tpu.memref_slice %arg4[%dma_wait3A_299, %dma_wait3A_308, %dma_wait3A_309] : memref<2x8x3840xf32, #tpu.memory_space<vmem>> -> memref<1x8x3840xf32, #tpu.memory_space<vmem>>
    %dma_wait3A_311 = tpu.memref_squeeze %dma_wait3A_310 : memref<1x8x3840xf32, #tpu.memory_space<vmem>> -> memref<8x3840xf32, #tpu.memory_space<vmem>>
    %dma_wait3A_312 = tpu.memref_slice %arg2[%multiple_of3A, %multiple_of3A_298] : memref<128x100000xf32, #tpu.memory_space<hbm>> -> memref<8x3840xf32, #tpu.memory_space<hbm>>
    tpu.wait_dma2 semaphore(%dma_wait3A_307 : memref<!tpu.dma_semaphore, #tpu.memory_space<semaphore_mem>>) src(%dma_wait3A_312 : memref<8x3840xf32, #tpu.memory_space<hbm>>) dst(%dma_wait3A_311 : memref<8x3840xf32, #tpu.memory_space<vmem>>)
    %add3A_313 = arith.constant 6 : i32
    %add3A_314 = arith.addi %add3A_313, %arg0 : i32
    %mul3A_315 = arith.constant 3840 : i32
    %mul3A_316 = arith.muli %add3A_314, %mul3A_315 : i32
    %add3A_317 = arith.constant 16384 : i32
    %add3A_318 = arith.addi %add3A_317, %mul3A_316 : i32
    %multiple_of3A_319 = tpu.assume_multiple %add3A_318, 128 : i32
    %dma_start3A_320 = arith.constant 1 : i32
    %dma_start3A_321 = arith.constant 1 : i32
    %dma_start3A_322 = arith.constant 0 : i32
    %dma_start3A_323 = arith.constant 0 : i32
    %dma_start3A_324 = tpu.memref_slice %arg4[%dma_start3A_320, %dma_start3A_322, %dma_start3A_323] : memref<2x8x3840xf32, #tpu.memory_space<vmem>> -> memref<1x8x3840xf32, #tpu.memory_space<vmem>>
    %dma_start3A_325 = tpu.memref_squeeze %dma_start3A_324 : memref<1x8x3840xf32, #tpu.memory_space<vmem>> -> memref<8x3840xf32, #tpu.memory_space<vmem>>
    %dma_start3A_326 = tpu.memref_slice %arg3[%multiple_of3A, %multiple_of3A_319] : memref<128x100000xf32, #tpu.memory_space<hbm>> -> memref<8x3840xf32, #tpu.memory_space<hbm>>
    %dma_start3A_327 = tpu.memref_slice %arg7[%dma_start3A_321] : memref<2x!tpu.dma_semaphore, #tpu.memory_space<semaphore_mem>> -> memref<1x!tpu.dma_semaphore, #tpu.memory_space<semaphore_mem>>
    %dma_start3A_328 = tpu.memref_squeeze %dma_start3A_327 : memref<1x!tpu.dma_semaphore, #tpu.memory_space<semaphore_mem>> -> memref<!tpu.dma_semaphore, #tpu.memory_space<semaphore_mem>>
    %dma_start3A_329 = tpu.memref_slice %arg3[%multiple_of3A, %multiple_of3A_319] : memref<128x100000xf32, #tpu.memory_space<hbm>> -> memref<8x3840xf32, #tpu.memory_space<hbm>>
    %dma_start3A_330 = arith.constant 0 : i32
    %dma_start3A_331 = arith.constant 0 : i32
    %dma_start3A_332 = tpu.memref_slice %arg4[%dma_start3A_320, %dma_start3A_330, %dma_start3A_331] : memref<2x8x3840xf32, #tpu.memory_space<vmem>> -> memref<1x8x3840xf32, #tpu.memory_space<vmem>>
    %dma_start3A_333 = tpu.memref_squeeze %dma_start3A_332 : memref<1x8x3840xf32, #tpu.memory_space<vmem>> -> memref<8x3840xf32, #tpu.memory_space<vmem>>
    tpu.enqueue_dma source(%dma_start3A_333 : memref<8x3840xf32, #tpu.memory_space<vmem>>) target(%dma_start3A_329 : memref<8x3840xf32, #tpu.memory_space<hbm>>) target_semaphore(%dma_start3A_328 : memref<!tpu.dma_semaphore, #tpu.memory_space<semaphore_mem>>)
    %add3A_334 = arith.constant 6 : i32
    %add3A_335 = arith.addi %add3A_334, %arg0 : i32
    %mul3A_336 = arith.constant 3840 : i32
    %mul3A_337 = arith.muli %add3A_335, %mul3A_336 : i32
    %add3A_338 = arith.constant 16384 : i32
    %add3A_339 = arith.addi %add3A_338, %mul3A_337 : i32
    %multiple_of3A_340 = tpu.assume_multiple %add3A_339, 128 : i32
    %dma_wait3A_341 = arith.constant 1 : i32
    %dma_wait3A_342 = arith.constant 1 : i32
    %dma_wait3A_343 = arith.constant 0 : i32
    %dma_wait3A_344 = arith.constant 0 : i32
    %dma_wait3A_345 = tpu.memref_slice %arg4[%dma_wait3A_341, %dma_wait3A_343, %dma_wait3A_344] : memref<2x8x3840xf32, #tpu.memory_space<vmem>> -> memref<1x8x3840xf32, #tpu.memory_space<vmem>>
    %dma_wait3A_346 = tpu.memref_squeeze %dma_wait3A_345 : memref<1x8x3840xf32, #tpu.memory_space<vmem>> -> memref<8x3840xf32, #tpu.memory_space<vmem>>
    %dma_wait3A_347 = tpu.memref_slice %arg3[%multiple_of3A, %multiple_of3A_340] : memref<128x100000xf32, #tpu.memory_space<hbm>> -> memref<8x3840xf32, #tpu.memory_space<hbm>>
    %dma_wait3A_348 = tpu.memref_slice %arg7[%dma_wait3A_342] : memref<2x!tpu.dma_semaphore, #tpu.memory_space<semaphore_mem>> -> memref<1x!tpu.dma_semaphore, #tpu.memory_space<semaphore_mem>>
    %dma_wait3A_349 = tpu.memref_squeeze %dma_wait3A_348 : memref<1x!tpu.dma_semaphore, #tpu.memory_space<semaphore_mem>> -> memref<!tpu.dma_semaphore, #tpu.memory_space<semaphore_mem>>
    %dma_wait3A_350 = tpu.memref_slice %arg3[%multiple_of3A, %multiple_of3A_340] : memref<128x100000xf32, #tpu.memory_space<hbm>> -> memref<8x3840xf32, #tpu.memory_space<hbm>>
    %dma_wait3A_351 = arith.constant 0 : i32
    %dma_wait3A_352 = arith.constant 0 : i32
    %dma_wait3A_353 = tpu.memref_slice %arg4[%dma_wait3A_341, %dma_wait3A_351, %dma_wait3A_352] : memref<2x8x3840xf32, #tpu.memory_space<vmem>> -> memref<1x8x3840xf32, #tpu.memory_space<vmem>>
    %dma_wait3A_354 = tpu.memref_squeeze %dma_wait3A_353 : memref<1x8x3840xf32, #tpu.memory_space<vmem>> -> memref<8x3840xf32, #tpu.memory_space<vmem>>
    tpu.wait_dma2 semaphore(%dma_wait3A_349 : memref<!tpu.dma_semaphore, #tpu.memory_space<semaphore_mem>>) src(%dma_wait3A_354 : memref<8x3840xf32, #tpu.memory_space<vmem>>) dst(%dma_wait3A_350 : memref<8x3840xf32, #tpu.memory_space<hbm>>)
    %add3A_355 = arith.constant 10 : i32
    %add3A_356 = arith.addi %add3A_355, %arg0 : i32
    %mul3A_357 = arith.constant 3840 : i32
    %mul3A_358 = arith.muli %add3A_356, %mul3A_357 : i32
    %add3A_359 = arith.constant 16384 : i32
    %add3A_360 = arith.addi %add3A_359, %mul3A_358 : i32
    %multiple_of3A_361 = tpu.assume_multiple %add3A_360, 128 : i32
    %dma_start3A_362 = arith.constant 1 : i32
    %dma_start3A_363 = arith.constant 1 : i32
    %dma_start3A_364 = arith.constant 0 : i32
    %dma_start3A_365 = arith.constant 0 : i32
    %dma_start3A_366 = tpu.memref_slice %arg4[%dma_start3A_362, %dma_start3A_364, %dma_start3A_365] : memref<2x8x3840xf32, #tpu.memory_space<vmem>> -> memref<1x8x3840xf32, #tpu.memory_space<vmem>>
    %dma_start3A_367 = tpu.memref_squeeze %dma_start3A_366 : memref<1x8x3840xf32, #tpu.memory_space<vmem>> -> memref<8x3840xf32, #tpu.memory_space<vmem>>
    %dma_start3A_368 = tpu.memref_slice %arg2[%multiple_of3A, %multiple_of3A_361] : memref<128x100000xf32, #tpu.memory_space<hbm>> -> memref<8x3840xf32, #tpu.memory_space<hbm>>
    %dma_start3A_369 = tpu.memref_slice %arg6[%dma_start3A_363] : memref<2x!tpu.dma_semaphore, #tpu.memory_space<semaphore_mem>> -> memref<1x!tpu.dma_semaphore, #tpu.memory_space<semaphore_mem>>
    %dma_start3A_370 = tpu.memref_squeeze %dma_start3A_369 : memref<1x!tpu.dma_semaphore, #tpu.memory_space<semaphore_mem>> -> memref<!tpu.dma_semaphore, #tpu.memory_space<semaphore_mem>>
    %dma_start3A_371 = arith.constant 0 : i32
    %dma_start3A_372 = arith.constant 0 : i32
    %dma_start3A_373 = tpu.memref_slice %arg4[%dma_start3A_362, %dma_start3A_371, %dma_start3A_372] : memref<2x8x3840xf32, #tpu.memory_space<vmem>> -> memref<1x8x3840xf32, #tpu.memory_space<vmem>>
    %dma_start3A_374 = tpu.memref_squeeze %dma_start3A_373 : memref<1x8x3840xf32, #tpu.memory_space<vmem>> -> memref<8x3840xf32, #tpu.memory_space<vmem>>
    %dma_start3A_375 = tpu.memref_slice %arg2[%multiple_of3A, %multiple_of3A_361] : memref<128x100000xf32, #tpu.memory_space<hbm>> -> memref<8x3840xf32, #tpu.memory_space<hbm>>
    tpu.enqueue_dma source(%dma_start3A_375 : memref<8x3840xf32, #tpu.memory_space<hbm>>) target(%dma_start3A_374 : memref<8x3840xf32, #tpu.memory_space<vmem>>) target_semaphore(%dma_start3A_370 : memref<!tpu.dma_semaphore, #tpu.memory_space<semaphore_mem>>)
    %add3A_376 = arith.constant 8 : i32
    %add3A_377 = arith.addi %add3A_376, %arg0 : i32
    %mul3A_378 = arith.constant 3840 : i32
    %mul3A_379 = arith.muli %add3A_377, %mul3A_378 : i32
    %add3A_380 = arith.constant 16384 : i32
    %add3A_381 = arith.addi %add3A_380, %mul3A_379 : i32
    %multiple_of3A_382 = tpu.assume_multiple %add3A_381, 128 : i32
    %dma_wait3A_383 = arith.constant 0 : i32
    %dma_wait3A_384 = arith.constant 0 : i32
    %dma_wait3A_385 = arith.constant 0 : i32
    %dma_wait3A_386 = arith.constant 0 : i32
    %dma_wait3A_387 = tpu.memref_slice %arg4[%dma_wait3A_383, %dma_wait3A_385, %dma_wait3A_386] : memref<2x8x3840xf32, #tpu.memory_space<vmem>> -> memref<1x8x3840xf32, #tpu.memory_space<vmem>>
    %dma_wait3A_388 = tpu.memref_squeeze %dma_wait3A_387 : memref<1x8x3840xf32, #tpu.memory_space<vmem>> -> memref<8x3840xf32, #tpu.memory_space<vmem>>
    %dma_wait3A_389 = tpu.memref_slice %arg2[%multiple_of3A, %multiple_of3A_382] : memref<128x100000xf32, #tpu.memory_space<hbm>> -> memref<8x3840xf32, #tpu.memory_space<hbm>>
    %dma_wait3A_390 = tpu.memref_slice %arg6[%dma_wait3A_384] : memref<2x!tpu.dma_semaphore, #tpu.memory_space<semaphore_mem>> -> memref<1x!tpu.dma_semaphore, #tpu.memory_space<semaphore_mem>>
    %dma_wait3A_391 = tpu.memref_squeeze %dma_wait3A_390 : memref<1x!tpu.dma_semaphore, #tpu.memory_space<semaphore_mem>> -> memref<!tpu.dma_semaphore, #tpu.memory_space<semaphore_mem>>
    %dma_wait3A_392 = arith.constant 0 : i32
    %dma_wait3A_393 = arith.constant 0 : i32
    %dma_wait3A_394 = tpu.memref_slice %arg4[%dma_wait3A_383, %dma_wait3A_392, %dma_wait3A_393] : memref<2x8x3840xf32, #tpu.memory_space<vmem>> -> memref<1x8x3840xf32, #tpu.memory_space<vmem>>
    %dma_wait3A_395 = tpu.memref_squeeze %dma_wait3A_394 : memref<1x8x3840xf32, #tpu.memory_space<vmem>> -> memref<8x3840xf32, #tpu.memory_space<vmem>>
    %dma_wait3A_396 = tpu.memref_slice %arg2[%multiple_of3A, %multiple_of3A_382] : memref<128x100000xf32, #tpu.memory_space<hbm>> -> memref<8x3840xf32, #tpu.memory_space<hbm>>
    tpu.wait_dma2 semaphore(%dma_wait3A_391 : memref<!tpu.dma_semaphore, #tpu.memory_space<semaphore_mem>>) src(%dma_wait3A_396 : memref<8x3840xf32, #tpu.memory_space<hbm>>) dst(%dma_wait3A_395 : memref<8x3840xf32, #tpu.memory_space<vmem>>)
    %add3A_397 = arith.constant 8 : i32
    %add3A_398 = arith.addi %add3A_397, %arg0 : i32
    %mul3A_399 = arith.constant 3840 : i32
    %mul3A_400 = arith.muli %add3A_398, %mul3A_399 : i32
    %add3A_401 = arith.constant 16384 : i32
    %add3A_402 = arith.addi %add3A_401, %mul3A_400 : i32
    %multiple_of3A_403 = tpu.assume_multiple %add3A_402, 128 : i32
    %dma_start3A_404 = arith.constant 0 : i32
    %dma_start3A_405 = arith.constant 0 : i32
    %dma_start3A_406 = arith.constant 0 : i32
    %dma_start3A_407 = arith.constant 0 : i32
    %dma_start3A_408 = tpu.memref_slice %arg4[%dma_start3A_404, %dma_start3A_406, %dma_start3A_407] : memref<2x8x3840xf32, #tpu.memory_space<vmem>> -> memref<1x8x3840xf32, #tpu.memory_space<vmem>>
    %dma_start3A_409 = tpu.memref_squeeze %dma_start3A_408 : memref<1x8x3840xf32, #tpu.memory_space<vmem>> -> memref<8x3840xf32, #tpu.memory_space<vmem>>
    %dma_start3A_410 = tpu.memref_slice %arg3[%multiple_of3A, %multiple_of3A_403] : memref<128x100000xf32, #tpu.memory_space<hbm>> -> memref<8x3840xf32, #tpu.memory_space<hbm>>
    %dma_start3A_411 = tpu.memref_slice %arg7[%dma_start3A_405] : memref<2x!tpu.dma_semaphore, #tpu.memory_space<semaphore_mem>> -> memref<1x!tpu.dma_semaphore, #tpu.memory_space<semaphore_mem>>
    %dma_start3A_412 = tpu.memref_squeeze %dma_start3A_411 : memref<1x!tpu.dma_semaphore, #tpu.memory_space<semaphore_mem>> -> memref<!tpu.dma_semaphore, #tpu.memory_space<semaphore_mem>>
    %dma_start3A_413 = tpu.memref_slice %arg3[%multiple_of3A, %multiple_of3A_403] : memref<128x100000xf32, #tpu.memory_space<hbm>> -> memref<8x3840xf32, #tpu.memory_space<hbm>>
    %dma_start3A_414 = arith.constant 0 : i32
    %dma_start3A_415 = arith.constant 0 : i32
    %dma_start3A_416 = tpu.memref_slice %arg4[%dma_start3A_404, %dma_start3A_414, %dma_start3A_415] : memref<2x8x3840xf32, #tpu.memory_space<vmem>> -> memref<1x8x3840xf32, #tpu.memory_space<vmem>>
    %dma_start3A_417 = tpu.memref_squeeze %dma_start3A_416 : memref<1x8x3840xf32, #tpu.memory_space<vmem>> -> memref<8x3840xf32, #tpu.memory_space<vmem>>
    tpu.enqueue_dma source(%dma_start3A_417 : memref<8x3840xf32, #tpu.memory_space<vmem>>) target(%dma_start3A_413 : memref<8x3840xf32, #tpu.memory_space<hbm>>) target_semaphore(%dma_start3A_412 : memref<!tpu.dma_semaphore, #tpu.memory_space<semaphore_mem>>)
    %add3A_418 = arith.constant 8 : i32
    %add3A_419 = arith.addi %add3A_418, %arg0 : i32
    %mul3A_420 = arith.constant 3840 : i32
    %mul3A_421 = arith.muli %add3A_419, %mul3A_420 : i32
    %add3A_422 = arith.constant 16384 : i32
    %add3A_423 = arith.addi %add3A_422, %mul3A_421 : i32
    %multiple_of3A_424 = tpu.assume_multiple %add3A_423, 128 : i32
    %dma_wait3A_425 = arith.constant 0 : i32
    %dma_wait3A_426 = arith.constant 0 : i32
    %dma_wait3A_427 = arith.constant 0 : i32
    %dma_wait3A_428 = arith.constant 0 : i32
    %dma_wait3A_429 = tpu.memref_slice %arg4[%dma_wait3A_425, %dma_wait3A_427, %dma_wait3A_428] : memref<2x8x3840xf32, #tpu.memory_space<vmem>> -> memref<1x8x3840xf32, #tpu.memory_space<vmem>>
    %dma_wait3A_430 = tpu.memref_squeeze %dma_wait3A_429 : memref<1x8x3840xf32, #tpu.memory_space<vmem>> -> memref<8x3840xf32, #tpu.memory_space<vmem>>
    %dma_wait3A_431 = tpu.memref_slice %arg3[%multiple_of3A, %multiple_of3A_424] : memref<128x100000xf32, #tpu.memory_space<hbm>> -> memref<8x3840xf32, #tpu.memory_space<hbm>>
    %dma_wait3A_432 = tpu.memref_slice %arg7[%dma_wait3A_426] : memref<2x!tpu.dma_semaphore, #tpu.memory_space<semaphore_mem>> -> memref<1x!tpu.dma_semaphore, #tpu.memory_space<semaphore_mem>>
    %dma_wait3A_433 = tpu.memref_squeeze %dma_wait3A_432 : memref<1x!tpu.dma_semaphore, #tpu.memory_space<semaphore_mem>> -> memref<!tpu.dma_semaphore, #tpu.memory_space<semaphore_mem>>
    %dma_wait3A_434 = tpu.memref_slice %arg3[%multiple_of3A, %multiple_of3A_424] : memref<128x100000xf32, #tpu.memory_space<hbm>> -> memref<8x3840xf32, #tpu.memory_space<hbm>>
    %dma_wait3A_435 = arith.constant 0 : i32
    %dma_wait3A_436 = arith.constant 0 : i32
    %dma_wait3A_437 = tpu.memref_slice %arg4[%dma_wait3A_425, %dma_wait3A_435, %dma_wait3A_436] : memref<2x8x3840xf32, #tpu.memory_space<vmem>> -> memref<1x8x3840xf32, #tpu.memory_space<vmem>>
    %dma_wait3A_438 = tpu.memref_squeeze %dma_wait3A_437 : memref<1x8x3840xf32, #tpu.memory_space<vmem>> -> memref<8x3840xf32, #tpu.memory_space<vmem>>
    tpu.wait_dma2 semaphore(%dma_wait3A_433 : memref<!tpu.dma_semaphore, #tpu.memory_space<semaphore_mem>>) src(%dma_wait3A_438 : memref<8x3840xf32, #tpu.memory_space<vmem>>) dst(%dma_wait3A_434 : memref<8x3840xf32, #tpu.memory_space<hbm>>)
    %add3A_439 = arith.constant 12 : i32
    %add3A_440 = arith.addi %add3A_439, %arg0 : i32
    %mul3A_441 = arith.constant 3840 : i32
    %mul3A_442 = arith.muli %add3A_440, %mul3A_441 : i32
    %add3A_443 = arith.constant 16384 : i32
    %add3A_444 = arith.addi %add3A_443, %mul3A_442 : i32
    %multiple_of3A_445 = tpu.assume_multiple %add3A_444, 128 : i32
    %dma_start3A_446 = arith.constant 0 : i32
    %dma_start3A_447 = arith.constant 0 : i32
    %dma_start3A_448 = arith.constant 0 : i32
    %dma_start3A_449 = arith.constant 0 : i32
    %dma_start3A_450 = tpu.memref_slice %arg4[%dma_start3A_446, %dma_start3A_448, %dma_start3A_449] : memref<2x8x3840xf32, #tpu.memory_space<vmem>> -> memref<1x8x3840xf32, #tpu.memory_space<vmem>>
    %dma_start3A_451 = tpu.memref_squeeze %dma_start3A_450 : memref<1x8x3840xf32, #tpu.memory_space<vmem>> -> memref<8x3840xf32, #tpu.memory_space<vmem>>
    %dma_start3A_452 = tpu.memref_slice %arg2[%multiple_of3A, %multiple_of3A_445] : memref<128x100000xf32, #tpu.memory_space<hbm>> -> memref<8x3840xf32, #tpu.memory_space<hbm>>
    %dma_start3A_453 = tpu.memref_slice %arg6[%dma_start3A_447] : memref<2x!tpu.dma_semaphore, #tpu.memory_space<semaphore_mem>> -> memref<1x!tpu.dma_semaphore, #tpu.memory_space<semaphore_mem>>
    %dma_start3A_454 = tpu.memref_squeeze %dma_start3A_453 : memref<1x!tpu.dma_semaphore, #tpu.memory_space<semaphore_mem>> -> memref<!tpu.dma_semaphore, #tpu.memory_space<semaphore_mem>>
    %dma_start3A_455 = arith.constant 0 : i32
    %dma_start3A_456 = arith.constant 0 : i32
    %dma_start3A_457 = tpu.memref_slice %arg4[%dma_start3A_446, %dma_start3A_455, %dma_start3A_456] : memref<2x8x3840xf32, #tpu.memory_space<vmem>> -> memref<1x8x3840xf32, #tpu.memory_space<vmem>>
    %dma_start3A_458 = tpu.memref_squeeze %dma_start3A_457 : memref<1x8x3840xf32, #tpu.memory_space<vmem>> -> memref<8x3840xf32, #tpu.memory_space<vmem>>
    %dma_start3A_459 = tpu.memref_slice %arg2[%multiple_of3A, %multiple_of3A_445] : memref<128x100000xf32, #tpu.memory_space<hbm>> -> memref<8x3840xf32, #tpu.memory_space<hbm>>
    tpu.enqueue_dma source(%dma_start3A_459 : memref<8x3840xf32, #tpu.memory_space<hbm>>) target(%dma_start3A_458 : memref<8x3840xf32, #tpu.memory_space<vmem>>) target_semaphore(%dma_start3A_454 : memref<!tpu.dma_semaphore, #tpu.memory_space<semaphore_mem>>)
    %add3A_460 = arith.constant 10 : i32
    %add3A_461 = arith.addi %add3A_460, %arg0 : i32
    %mul3A_462 = arith.constant 3840 : i32
    %mul3A_463 = arith.muli %add3A_461, %mul3A_462 : i32
    %add3A_464 = arith.constant 16384 : i32
    %add3A_465 = arith.addi %add3A_464, %mul3A_463 : i32
    %multiple_of3A_466 = tpu.assume_multiple %add3A_465, 128 : i32
    %dma_wait3A_467 = arith.constant 1 : i32
    %dma_wait3A_468 = arith.constant 1 : i32
    %dma_wait3A_469 = arith.constant 0 : i32
    %dma_wait3A_470 = arith.constant 0 : i32
    %dma_wait3A_471 = tpu.memref_slice %arg4[%dma_wait3A_467, %dma_wait3A_469, %dma_wait3A_470] : memref<2x8x3840xf32, #tpu.memory_space<vmem>> -> memref<1x8x3840xf32, #tpu.memory_space<vmem>>
    %dma_wait3A_472 = tpu.memref_squeeze %dma_wait3A_471 : memref<1x8x3840xf32, #tpu.memory_space<vmem>> -> memref<8x3840xf32, #tpu.memory_space<vmem>>
    %dma_wait3A_473 = tpu.memref_slice %arg2[%multiple_of3A, %multiple_of3A_466] : memref<128x100000xf32, #tpu.memory_space<hbm>> -> memref<8x3840xf32, #tpu.memory_space<hbm>>
    %dma_wait3A_474 = tpu.memref_slice %arg6[%dma_wait3A_468] : memref<2x!tpu.dma_semaphore, #tpu.memory_space<semaphore_mem>> -> memref<1x!tpu.dma_semaphore, #tpu.memory_space<semaphore_mem>>
    %dma_wait3A_475 = tpu.memref_squeeze %dma_wait3A_474 : memref<1x!tpu.dma_semaphore, #tpu.memory_space<semaphore_mem>> -> memref<!tpu.dma_semaphore, #tpu.memory_space<semaphore_mem>>
    %dma_wait3A_476 = arith.constant 0 : i32
    %dma_wait3A_477 = arith.constant 0 : i32
    %dma_wait3A_478 = tpu.memref_slice %arg4[%dma_wait3A_467, %dma_wait3A_476, %dma_wait3A_477] : memref<2x8x3840xf32, #tpu.memory_space<vmem>> -> memref<1x8x3840xf32, #tpu.memory_space<vmem>>
    %dma_wait3A_479 = tpu.memref_squeeze %dma_wait3A_478 : memref<1x8x3840xf32, #tpu.memory_space<vmem>> -> memref<8x3840xf32, #tpu.memory_space<vmem>>
    %dma_wait3A_480 = tpu.memref_slice %arg2[%multiple_of3A, %multiple_of3A_466] : memref<128x100000xf32, #tpu.memory_space<hbm>> -> memref<8x3840xf32, #tpu.memory_space<hbm>>
    tpu.wait_dma2 semaphore(%dma_wait3A_475 : memref<!tpu.dma_semaphore, #tpu.memory_space<semaphore_mem>>) src(%dma_wait3A_480 : memref<8x3840xf32, #tpu.memory_space<hbm>>) dst(%dma_wait3A_479 : memref<8x3840xf32, #tpu.memory_space<vmem>>)
    %add3A_481 = arith.constant 10 : i32
    %add3A_482 = arith.addi %add3A_481, %arg0 : i32
    %mul3A_483 = arith.constant 3840 : i32
    %mul3A_484 = arith.muli %add3A_482, %mul3A_483 : i32
    %add3A_485 = arith.constant 16384 : i32
    %add3A_486 = arith.addi %add3A_485, %mul3A_484 : i32
    %multiple_of3A_487 = tpu.assume_multiple %add3A_486, 128 : i32
    %dma_start3A_488 = arith.constant 1 : i32
    %dma_start3A_489 = arith.constant 1 : i32
    %dma_start3A_490 = arith.constant 0 : i32
    %dma_start3A_491 = arith.constant 0 : i32
    %dma_start3A_492 = tpu.memref_slice %arg4[%dma_start3A_488, %dma_start3A_490, %dma_start3A_491] : memref<2x8x3840xf32, #tpu.memory_space<vmem>> -> memref<1x8x3840xf32, #tpu.memory_space<vmem>>
    %dma_start3A_493 = tpu.memref_squeeze %dma_start3A_492 : memref<1x8x3840xf32, #tpu.memory_space<vmem>> -> memref<8x3840xf32, #tpu.memory_space<vmem>>
    %dma_start3A_494 = tpu.memref_slice %arg3[%multiple_of3A, %multiple_of3A_487] : memref<128x100000xf32, #tpu.memory_space<hbm>> -> memref<8x3840xf32, #tpu.memory_space<hbm>>
    %dma_start3A_495 = tpu.memref_slice %arg7[%dma_start3A_489] : memref<2x!tpu.dma_semaphore, #tpu.memory_space<semaphore_mem>> -> memref<1x!tpu.dma_semaphore, #tpu.memory_space<semaphore_mem>>
    %dma_start3A_496 = tpu.memref_squeeze %dma_start3A_495 : memref<1x!tpu.dma_semaphore, #tpu.memory_space<semaphore_mem>> -> memref<!tpu.dma_semaphore, #tpu.memory_space<semaphore_mem>>
    %dma_start3A_497 = tpu.memref_slice %arg3[%multiple_of3A, %multiple_of3A_487] : memref<128x100000xf32, #tpu.memory_space<hbm>> -> memref<8x3840xf32, #tpu.memory_space<hbm>>
    %dma_start3A_498 = arith.constant 0 : i32
    %dma_start3A_499 = arith.constant 0 : i32
    %dma_start3A_500 = tpu.memref_slice %arg4[%dma_start3A_488, %dma_start3A_498, %dma_start3A_499] : memref<2x8x3840xf32, #tpu.memory_space<vmem>> -> memref<1x8x3840xf32, #tpu.memory_space<vmem>>
    %dma_start3A_501 = tpu.memref_squeeze %dma_start3A_500 : memref<1x8x3840xf32, #tpu.memory_space<vmem>> -> memref<8x3840xf32, #tpu.memory_space<vmem>>
    tpu.enqueue_dma source(%dma_start3A_501 : memref<8x3840xf32, #tpu.memory_space<vmem>>) target(%dma_start3A_497 : memref<8x3840xf32, #tpu.memory_space<hbm>>) target_semaphore(%dma_start3A_496 : memref<!tpu.dma_semaphore, #tpu.memory_space<semaphore_mem>>)
    %add3A_502 = arith.constant 10 : i32
    %add3A_503 = arith.addi %add3A_502, %arg0 : i32
    %mul3A_504 = arith.constant 3840 : i32
    %mul3A_505 = arith.muli %add3A_503, %mul3A_504 : i32
    %add3A_506 = arith.constant 16384 : i32
    %add3A_507 = arith.addi %add3A_506, %mul3A_505 : i32
    %multiple_of3A_508 = tpu.assume_multiple %add3A_507, 128 : i32
    %dma_wait3A_509 = arith.constant 1 : i32
    %dma_wait3A_510 = arith.constant 1 : i32
    %dma_wait3A_511 = arith.constant 0 : i32
    %dma_wait3A_512 = arith.constant 0 : i32
    %dma_wait3A_513 = tpu.memref_slice %arg4[%dma_wait3A_509, %dma_wait3A_511, %dma_wait3A_512] : memref<2x8x3840xf32, #tpu.memory_space<vmem>> -> memref<1x8x3840xf32, #tpu.memory_space<vmem>>
    %dma_wait3A_514 = tpu.memref_squeeze %dma_wait3A_513 : memref<1x8x3840xf32, #tpu.memory_space<vmem>> -> memref<8x3840xf32, #tpu.memory_space<vmem>>
    %dma_wait3A_515 = tpu.memref_slice %arg3[%multiple_of3A, %multiple_of3A_508] : memref<128x100000xf32, #tpu.memory_space<hbm>> -> memref<8x3840xf32, #tpu.memory_space<hbm>>
    %dma_wait3A_516 = tpu.memref_slice %arg7[%dma_wait3A_510] : memref<2x!tpu.dma_semaphore, #tpu.memory_space<semaphore_mem>> -> memref<1x!tpu.dma_semaphore, #tpu.memory_space<semaphore_mem>>
    %dma_wait3A_517 = tpu.memref_squeeze %dma_wait3A_516 : memref<1x!tpu.dma_semaphore, #tpu.memory_space<semaphore_mem>> -> memref<!tpu.dma_semaphore, #tpu.memory_space<semaphore_mem>>
    %dma_wait3A_518 = tpu.memref_slice %arg3[%multiple_of3A, %multiple_of3A_508] : memref<128x100000xf32, #tpu.memory_space<hbm>> -> memref<8x3840xf32, #tpu.memory_space<hbm>>
    %dma_wait3A_519 = arith.constant 0 : i32
    %dma_wait3A_520 = arith.constant 0 : i32
    %dma_wait3A_521 = tpu.memref_slice %arg4[%dma_wait3A_509, %dma_wait3A_519, %dma_wait3A_520] : memref<2x8x3840xf32, #tpu.memory_space<vmem>> -> memref<1x8x3840xf32, #tpu.memory_space<vmem>>
    %dma_wait3A_522 = tpu.memref_squeeze %dma_wait3A_521 : memref<1x8x3840xf32, #tpu.memory_space<vmem>> -> memref<8x3840xf32, #tpu.memory_space<vmem>>
    tpu.wait_dma2 semaphore(%dma_wait3A_517 : memref<!tpu.dma_semaphore, #tpu.memory_space<semaphore_mem>>) src(%dma_wait3A_522 : memref<8x3840xf32, #tpu.memory_space<vmem>>) dst(%dma_wait3A_518 : memref<8x3840xf32, #tpu.memory_space<hbm>>)
    %add3A_523 = arith.constant 14 : i32
    %add3A_524 = arith.addi %add3A_523, %arg0 : i32
    %mul3A_525 = arith.constant 3840 : i32
    %mul3A_526 = arith.muli %add3A_524, %mul3A_525 : i32
    %add3A_527 = arith.constant 16384 : i32
    %add3A_528 = arith.addi %add3A_527, %mul3A_526 : i32
    %multiple_of3A_529 = tpu.assume_multiple %add3A_528, 128 : i32
    %dma_start3A_530 = arith.constant 1 : i32
    %dma_start3A_531 = arith.constant 1 : i32
    %dma_start3A_532 = arith.constant 0 : i32
    %dma_start3A_533 = arith.constant 0 : i32
    %dma_start3A_534 = tpu.memref_slice %arg4[%dma_start3A_530, %dma_start3A_532, %dma_start3A_533] : memref<2x8x3840xf32, #tpu.memory_space<vmem>> -> memref<1x8x3840xf32, #tpu.memory_space<vmem>>
    %dma_start3A_535 = tpu.memref_squeeze %dma_start3A_534 : memref<1x8x3840xf32, #tpu.memory_space<vmem>> -> memref<8x3840xf32, #tpu.memory_space<vmem>>
    %dma_start3A_536 = tpu.memref_slice %arg2[%multiple_of3A, %multiple_of3A_529] : memref<128x100000xf32, #tpu.memory_space<hbm>> -> memref<8x3840xf32, #tpu.memory_space<hbm>>
    %dma_start3A_537 = tpu.memref_slice %arg6[%dma_start3A_531] : memref<2x!tpu.dma_semaphore, #tpu.memory_space<semaphore_mem>> -> memref<1x!tpu.dma_semaphore, #tpu.memory_space<semaphore_mem>>
    %dma_start3A_538 = tpu.memref_squeeze %dma_start3A_537 : memref<1x!tpu.dma_semaphore, #tpu.memory_space<semaphore_mem>> -> memref<!tpu.dma_semaphore, #tpu.memory_space<semaphore_mem>>
    %dma_start3A_539 = arith.constant 0 : i32
    %dma_start3A_540 = arith.constant 0 : i32
    %dma_start3A_541 = tpu.memref_slice %arg4[%dma_start3A_530, %dma_start3A_539, %dma_start3A_540] : memref<2x8x3840xf32, #tpu.memory_space<vmem>> -> memref<1x8x3840xf32, #tpu.memory_space<vmem>>
    %dma_start3A_542 = tpu.memref_squeeze %dma_start3A_541 : memref<1x8x3840xf32, #tpu.memory_space<vmem>> -> memref<8x3840xf32, #tpu.memory_space<vmem>>
    %dma_start3A_543 = tpu.memref_slice %arg2[%multiple_of3A, %multiple_of3A_529] : memref<128x100000xf32, #tpu.memory_space<hbm>> -> memref<8x3840xf32, #tpu.memory_space<hbm>>
    tpu.enqueue_dma source(%dma_start3A_543 : memref<8x3840xf32, #tpu.memory_space<hbm>>) target(%dma_start3A_542 : memref<8x3840xf32, #tpu.memory_space<vmem>>) target_semaphore(%dma_start3A_538 : memref<!tpu.dma_semaphore, #tpu.memory_space<semaphore_mem>>)
    %add3A_544 = arith.constant 12 : i32
    %add3A_545 = arith.addi %add3A_544, %arg0 : i32
    %mul3A_546 = arith.constant 3840 : i32
    %mul3A_547 = arith.muli %add3A_545, %mul3A_546 : i32
    %add3A_548 = arith.constant 16384 : i32
    %add3A_549 = arith.addi %add3A_548, %mul3A_547 : i32
    %multiple_of3A_550 = tpu.assume_multiple %add3A_549, 128 : i32
    %dma_wait3A_551 = arith.constant 0 : i32
    %dma_wait3A_552 = arith.constant 0 : i32
    %dma_wait3A_553 = arith.constant 0 : i32
    %dma_wait3A_554 = arith.constant 0 : i32
    %dma_wait3A_555 = tpu.memref_slice %arg4[%dma_wait3A_551, %dma_wait3A_553, %dma_wait3A_554] : memref<2x8x3840xf32, #tpu.memory_space<vmem>> -> memref<1x8x3840xf32, #tpu.memory_space<vmem>>
    %dma_wait3A_556 = tpu.memref_squeeze %dma_wait3A_555 : memref<1x8x3840xf32, #tpu.memory_space<vmem>> -> memref<8x3840xf32, #tpu.memory_space<vmem>>
    %dma_wait3A_557 = tpu.memref_slice %arg2[%multiple_of3A, %multiple_of3A_550] : memref<128x100000xf32, #tpu.memory_space<hbm>> -> memref<8x3840xf32, #tpu.memory_space<hbm>>
    %dma_wait3A_558 = tpu.memref_slice %arg6[%dma_wait3A_552] : memref<2x!tpu.dma_semaphore, #tpu.memory_space<semaphore_mem>> -> memref<1x!tpu.dma_semaphore, #tpu.memory_space<semaphore_mem>>
    %dma_wait3A_559 = tpu.memref_squeeze %dma_wait3A_558 : memref<1x!tpu.dma_semaphore, #tpu.memory_space<semaphore_mem>> -> memref<!tpu.dma_semaphore, #tpu.memory_space<semaphore_mem>>
    %dma_wait3A_560 = arith.constant 0 : i32
    %dma_wait3A_561 = arith.constant 0 : i32
    %dma_wait3A_562 = tpu.memref_slice %arg4[%dma_wait3A_551, %dma_wait3A_560, %dma_wait3A_561] : memref<2x8x3840xf32, #tpu.memory_space<vmem>> -> memref<1x8x3840xf32, #tpu.memory_space<vmem>>
    %dma_wait3A_563 = tpu.memref_squeeze %dma_wait3A_562 : memref<1x8x3840xf32, #tpu.memory_space<vmem>> -> memref<8x3840xf32, #tpu.memory_space<vmem>>
    %dma_wait3A_564 = tpu.memref_slice %arg2[%multiple_of3A, %multiple_of3A_550] : memref<128x100000xf32, #tpu.memory_space<hbm>> -> memref<8x3840xf32, #tpu.memory_space<hbm>>
    tpu.wait_dma2 semaphore(%dma_wait3A_559 : memref<!tpu.dma_semaphore, #tpu.memory_space<semaphore_mem>>) src(%dma_wait3A_564 : memref<8x3840xf32, #tpu.memory_space<hbm>>) dst(%dma_wait3A_563 : memref<8x3840xf32, #tpu.memory_space<vmem>>)
    %add3A_565 = arith.constant 12 : i32
    %add3A_566 = arith.addi %add3A_565, %arg0 : i32
    %mul3A_567 = arith.constant 3840 : i32
    %mul3A_568 = arith.muli %add3A_566, %mul3A_567 : i32
    %add3A_569 = arith.constant 16384 : i32
    %add3A_570 = arith.addi %add3A_569, %mul3A_568 : i32
    %multiple_of3A_571 = tpu.assume_multiple %add3A_570, 128 : i32
    %dma_start3A_572 = arith.constant 0 : i32
    %dma_start3A_573 = arith.constant 0 : i32
    %dma_start3A_574 = arith.constant 0 : i32
    %dma_start3A_575 = arith.constant 0 : i32
    %dma_start3A_576 = tpu.memref_slice %arg4[%dma_start3A_572, %dma_start3A_574, %dma_start3A_575] : memref<2x8x3840xf32, #tpu.memory_space<vmem>> -> memref<1x8x3840xf32, #tpu.memory_space<vmem>>
    %dma_start3A_577 = tpu.memref_squeeze %dma_start3A_576 : memref<1x8x3840xf32, #tpu.memory_space<vmem>> -> memref<8x3840xf32, #tpu.memory_space<vmem>>
    %dma_start3A_578 = tpu.memref_slice %arg3[%multiple_of3A, %multiple_of3A_571] : memref<128x100000xf32, #tpu.memory_space<hbm>> -> memref<8x3840xf32, #tpu.memory_space<hbm>>
    %dma_start3A_579 = tpu.memref_slice %arg7[%dma_start3A_573] : memref<2x!tpu.dma_semaphore, #tpu.memory_space<semaphore_mem>> -> memref<1x!tpu.dma_semaphore, #tpu.memory_space<semaphore_mem>>
    %dma_start3A_580 = tpu.memref_squeeze %dma_start3A_579 : memref<1x!tpu.dma_semaphore, #tpu.memory_space<semaphore_mem>> -> memref<!tpu.dma_semaphore, #tpu.memory_space<semaphore_mem>>
    %dma_start3A_581 = tpu.memref_slice %arg3[%multiple_of3A, %multiple_of3A_571] : memref<128x100000xf32, #tpu.memory_space<hbm>> -> memref<8x3840xf32, #tpu.memory_space<hbm>>
    %dma_start3A_582 = arith.constant 0 : i32
    %dma_start3A_583 = arith.constant 0 : i32
    %dma_start3A_584 = tpu.memref_slice %arg4[%dma_start3A_572, %dma_start3A_582, %dma_start3A_583] : memref<2x8x3840xf32, #tpu.memory_space<vmem>> -> memref<1x8x3840xf32, #tpu.memory_space<vmem>>
    %dma_start3A_585 = tpu.memref_squeeze %dma_start3A_584 : memref<1x8x3840xf32, #tpu.memory_space<vmem>> -> memref<8x3840xf32, #tpu.memory_space<vmem>>
    tpu.enqueue_dma source(%dma_start3A_585 : memref<8x3840xf32, #tpu.memory_space<vmem>>) target(%dma_start3A_581 : memref<8x3840xf32, #tpu.memory_space<hbm>>) target_semaphore(%dma_start3A_580 : memref<!tpu.dma_semaphore, #tpu.memory_space<semaphore_mem>>)
    %add3A_586 = arith.constant 12 : i32
    %add3A_587 = arith.addi %add3A_586, %arg0 : i32
    %mul3A_588 = arith.constant 3840 : i32
    %mul3A_589 = arith.muli %add3A_587, %mul3A_588 : i32
    %add3A_590 = arith.constant 16384 : i32
    %add3A_591 = arith.addi %add3A_590, %mul3A_589 : i32
    %multiple_of3A_592 = tpu.assume_multiple %add3A_591, 128 : i32
    %dma_wait3A_593 = arith.constant 0 : i32
    %dma_wait3A_594 = arith.constant 0 : i32
    %dma_wait3A_595 = arith.constant 0 : i32
    %dma_wait3A_596 = arith.constant 0 : i32
    %dma_wait3A_597 = tpu.memref_slice %arg4[%dma_wait3A_593, %dma_wait3A_595, %dma_wait3A_596] : memref<2x8x3840xf32, #tpu.memory_space<vmem>> -> memref<1x8x3840xf32, #tpu.memory_space<vmem>>
    %dma_wait3A_598 = tpu.memref_squeeze %dma_wait3A_597 : memref<1x8x3840xf32, #tpu.memory_space<vmem>> -> memref<8x3840xf32, #tpu.memory_space<vmem>>
    %dma_wait3A_599 = tpu.memref_slice %arg3[%multiple_of3A, %multiple_of3A_592] : memref<128x100000xf32, #tpu.memory_space<hbm>> -> memref<8x3840xf32, #tpu.memory_space<hbm>>
    %dma_wait3A_600 = tpu.memref_slice %arg7[%dma_wait3A_594] : memref<2x!tpu.dma_semaphore, #tpu.memory_space<semaphore_mem>> -> memref<1x!tpu.dma_semaphore, #tpu.memory_space<semaphore_mem>>
    %dma_wait3A_601 = tpu.memref_squeeze %dma_wait3A_600 : memref<1x!tpu.dma_semaphore, #tpu.memory_space<semaphore_mem>> -> memref<!tpu.dma_semaphore, #tpu.memory_space<semaphore_mem>>
    %dma_wait3A_602 = tpu.memref_slice %arg3[%multiple_of3A, %multiple_of3A_592] : memref<128x100000xf32, #tpu.memory_space<hbm>> -> memref<8x3840xf32, #tpu.memory_space<hbm>>
    %dma_wait3A_603 = arith.constant 0 : i32
    %dma_wait3A_604 = arith.constant 0 : i32
    %dma_wait3A_605 = tpu.memref_slice %arg4[%dma_wait3A_593, %dma_wait3A_603, %dma_wait3A_604] : memref<2x8x3840xf32, #tpu.memory_space<vmem>> -> memref<1x8x3840xf32, #tpu.memory_space<vmem>>
    %dma_wait3A_606 = tpu.memref_squeeze %dma_wait3A_605 : memref<1x8x3840xf32, #tpu.memory_space<vmem>> -> memref<8x3840xf32, #tpu.memory_space<vmem>>
    tpu.wait_dma2 semaphore(%dma_wait3A_601 : memref<!tpu.dma_semaphore, #tpu.memory_space<semaphore_mem>>) src(%dma_wait3A_606 : memref<8x3840xf32, #tpu.memory_space<vmem>>) dst(%dma_wait3A_602 : memref<8x3840xf32, #tpu.memory_space<hbm>>)
    %add3A_607 = arith.constant 16 : i32
    %add3A_608 = arith.addi %add3A_607, %arg0 : i32
    %mul3A_609 = arith.constant 3840 : i32
    %mul3A_610 = arith.muli %add3A_608, %mul3A_609 : i32
    %add3A_611 = arith.constant 16384 : i32
    %add3A_612 = arith.addi %add3A_611, %mul3A_610 : i32
    %multiple_of3A_613 = tpu.assume_multiple %add3A_612, 128 : i32
    %dma_start3A_614 = arith.constant 0 : i32
    %dma_start3A_615 = arith.constant 0 : i32
    %dma_start3A_616 = arith.constant 0 : i32
    %dma_start3A_617 = arith.constant 0 : i32
    %dma_start3A_618 = tpu.memref_slice %arg4[%dma_start3A_614, %dma_start3A_616, %dma_start3A_617] : memref<2x8x3840xf32, #tpu.memory_space<vmem>> -> memref<1x8x3840xf32, #tpu.memory_space<vmem>>
    %dma_start3A_619 = tpu.memref_squeeze %dma_start3A_618 : memref<1x8x3840xf32, #tpu.memory_space<vmem>> -> memref<8x3840xf32, #tpu.memory_space<vmem>>
    %dma_start3A_620 = tpu.memref_slice %arg2[%multiple_of3A, %multiple_of3A_613] : memref<128x100000xf32, #tpu.memory_space<hbm>> -> memref<8x3840xf32, #tpu.memory_space<hbm>>
    %dma_start3A_621 = tpu.memref_slice %arg6[%dma_start3A_615] : memref<2x!tpu.dma_semaphore, #tpu.memory_space<semaphore_mem>> -> memref<1x!tpu.dma_semaphore, #tpu.memory_space<semaphore_mem>>
    %dma_start3A_622 = tpu.memref_squeeze %dma_start3A_621 : memref<1x!tpu.dma_semaphore, #tpu.memory_space<semaphore_mem>> -> memref<!tpu.dma_semaphore, #tpu.memory_space<semaphore_mem>>
    %dma_start3A_623 = arith.constant 0 : i32
    %dma_start3A_624 = arith.constant 0 : i32
    %dma_start3A_625 = tpu.memref_slice %arg4[%dma_start3A_614, %dma_start3A_623, %dma_start3A_624] : memref<2x8x3840xf32, #tpu.memory_space<vmem>> -> memref<1x8x3840xf32, #tpu.memory_space<vmem>>
    %dma_start3A_626 = tpu.memref_squeeze %dma_start3A_625 : memref<1x8x3840xf32, #tpu.memory_space<vmem>> -> memref<8x3840xf32, #tpu.memory_space<vmem>>
    %dma_start3A_627 = tpu.memref_slice %arg2[%multiple_of3A, %multiple_of3A_613] : memref<128x100000xf32, #tpu.memory_space<hbm>> -> memref<8x3840xf32, #tpu.memory_space<hbm>>
    tpu.enqueue_dma source(%dma_start3A_627 : memref<8x3840xf32, #tpu.memory_space<hbm>>) target(%dma_start3A_626 : memref<8x3840xf32, #tpu.memory_space<vmem>>) target_semaphore(%dma_start3A_622 : memref<!tpu.dma_semaphore, #tpu.memory_space<semaphore_mem>>)
    %add3A_628 = arith.constant 14 : i32
    %add3A_629 = arith.addi %add3A_628, %arg0 : i32
    %mul3A_630 = arith.constant 3840 : i32
    %mul3A_631 = arith.muli %add3A_629, %mul3A_630 : i32
    %add3A_632 = arith.constant 16384 : i32
    %add3A_633 = arith.addi %add3A_632, %mul3A_631 : i32
    %multiple_of3A_634 = tpu.assume_multiple %add3A_633, 128 : i32
    %dma_wait3A_635 = arith.constant 1 : i32
    %dma_wait3A_636 = arith.constant 1 : i32
    %dma_wait3A_637 = arith.constant 0 : i32
    %dma_wait3A_638 = arith.constant 0 : i32
    %dma_wait3A_639 = tpu.memref_slice %arg4[%dma_wait3A_635, %dma_wait3A_637, %dma_wait3A_638] : memref<2x8x3840xf32, #tpu.memory_space<vmem>> -> memref<1x8x3840xf32, #tpu.memory_space<vmem>>
    %dma_wait3A_640 = tpu.memref_squeeze %dma_wait3A_639 : memref<1x8x3840xf32, #tpu.memory_space<vmem>> -> memref<8x3840xf32, #tpu.memory_space<vmem>>
    %dma_wait3A_641 = tpu.memref_slice %arg2[%multiple_of3A, %multiple_of3A_634] : memref<128x100000xf32, #tpu.memory_space<hbm>> -> memref<8x3840xf32, #tpu.memory_space<hbm>>
    %dma_wait3A_642 = tpu.memref_slice %arg6[%dma_wait3A_636] : memref<2x!tpu.dma_semaphore, #tpu.memory_space<semaphore_mem>> -> memref<1x!tpu.dma_semaphore, #tpu.memory_space<semaphore_mem>>
    %dma_wait3A_643 = tpu.memref_squeeze %dma_wait3A_642 : memref<1x!tpu.dma_semaphore, #tpu.memory_space<semaphore_mem>> -> memref<!tpu.dma_semaphore, #tpu.memory_space<semaphore_mem>>
    %dma_wait3A_644 = arith.constant 0 : i32
    %dma_wait3A_645 = arith.constant 0 : i32
    %dma_wait3A_646 = tpu.memref_slice %arg4[%dma_wait3A_635, %dma_wait3A_644, %dma_wait3A_645] : memref<2x8x3840xf32, #tpu.memory_space<vmem>> -> memref<1x8x3840xf32, #tpu.memory_space<vmem>>
    %dma_wait3A_647 = tpu.memref_squeeze %dma_wait3A_646 : memref<1x8x3840xf32, #tpu.memory_space<vmem>> -> memref<8x3840xf32, #tpu.memory_space<vmem>>
    %dma_wait3A_648 = tpu.memref_slice %arg2[%multiple_of3A, %multiple_of3A_634] : memref<128x100000xf32, #tpu.memory_space<hbm>> -> memref<8x3840xf32, #tpu.memory_space<hbm>>
    tpu.wait_dma2 semaphore(%dma_wait3A_643 : memref<!tpu.dma_semaphore, #tpu.memory_space<semaphore_mem>>) src(%dma_wait3A_648 : memref<8x3840xf32, #tpu.memory_space<hbm>>) dst(%dma_wait3A_647 : memref<8x3840xf32, #tpu.memory_space<vmem>>)
    %add3A_649 = arith.constant 14 : i32
    %add3A_650 = arith.addi %add3A_649, %arg0 : i32
    %mul3A_651 = arith.constant 3840 : i32
    %mul3A_652 = arith.muli %add3A_650, %mul3A_651 : i32
    %add3A_653 = arith.constant 16384 : i32
    %add3A_654 = arith.addi %add3A_653, %mul3A_652 : i32
    %multiple_of3A_655 = tpu.assume_multiple %add3A_654, 128 : i32
    %dma_start3A_656 = arith.constant 1 : i32
    %dma_start3A_657 = arith.constant 1 : i32
    %dma_start3A_658 = arith.constant 0 : i32
    %dma_start3A_659 = arith.constant 0 : i32
    %dma_start3A_660 = tpu.memref_slice %arg4[%dma_start3A_656, %dma_start3A_658, %dma_start3A_659] : memref<2x8x3840xf32, #tpu.memory_space<vmem>> -> memref<1x8x3840xf32, #tpu.memory_space<vmem>>
    %dma_start3A_661 = tpu.memref_squeeze %dma_start3A_660 : memref<1x8x3840xf32, #tpu.memory_space<vmem>> -> memref<8x3840xf32, #tpu.memory_space<vmem>>
    %dma_start3A_662 = tpu.memref_slice %arg3[%multiple_of3A, %multiple_of3A_655] : memref<128x100000xf32, #tpu.memory_space<hbm>> -> memref<8x3840xf32, #tpu.memory_space<hbm>>
    %dma_start3A_663 = tpu.memref_slice %arg7[%dma_start3A_657] : memref<2x!tpu.dma_semaphore, #tpu.memory_space<semaphore_mem>> -> memref<1x!tpu.dma_semaphore, #tpu.memory_space<semaphore_mem>>
    %dma_start3A_664 = tpu.memref_squeeze %dma_start3A_663 : memref<1x!tpu.dma_semaphore, #tpu.memory_space<semaphore_mem>> -> memref<!tpu.dma_semaphore, #tpu.memory_space<semaphore_mem>>
    %dma_start3A_665 = tpu.memref_slice %arg3[%multiple_of3A, %multiple_of3A_655] : memref<128x100000xf32, #tpu.memory_space<hbm>> -> memref<8x3840xf32, #tpu.memory_space<hbm>>
    %dma_start3A_666 = arith.constant 0 : i32
    %dma_start3A_667 = arith.constant 0 : i32
    %dma_start3A_668 = tpu.memref_slice %arg4[%dma_start3A_656, %dma_start3A_666, %dma_start3A_667] : memref<2x8x3840xf32, #tpu.memory_space<vmem>> -> memref<1x8x3840xf32, #tpu.memory_space<vmem>>
    %dma_start3A_669 = tpu.memref_squeeze %dma_start3A_668 : memref<1x8x3840xf32, #tpu.memory_space<vmem>> -> memref<8x3840xf32, #tpu.memory_space<vmem>>
    tpu.enqueue_dma source(%dma_start3A_669 : memref<8x3840xf32, #tpu.memory_space<vmem>>) target(%dma_start3A_665 : memref<8x3840xf32, #tpu.memory_space<hbm>>) target_semaphore(%dma_start3A_664 : memref<!tpu.dma_semaphore, #tpu.memory_space<semaphore_mem>>)
    %add3A_670 = arith.constant 14 : i32
    %add3A_671 = arith.addi %add3A_670, %arg0 : i32
    %mul3A_672 = arith.constant 3840 : i32
    %mul3A_673 = arith.muli %add3A_671, %mul3A_672 : i32
    %add3A_674 = arith.constant 16384 : i32
    %add3A_675 = arith.addi %add3A_674, %mul3A_673 : i32
    %multiple_of3A_676 = tpu.assume_multiple %add3A_675, 128 : i32
    %dma_wait3A_677 = arith.constant 1 : i32
    %dma_wait3A_678 = arith.constant 1 : i32
    %dma_wait3A_679 = arith.constant 0 : i32
    %dma_wait3A_680 = arith.constant 0 : i32
    %dma_wait3A_681 = tpu.memref_slice %arg4[%dma_wait3A_677, %dma_wait3A_679, %dma_wait3A_680] : memref<2x8x3840xf32, #tpu.memory_space<vmem>> -> memref<1x8x3840xf32, #tpu.memory_space<vmem>>
    %dma_wait3A_682 = tpu.memref_squeeze %dma_wait3A_681 : memref<1x8x3840xf32, #tpu.memory_space<vmem>> -> memref<8x3840xf32, #tpu.memory_space<vmem>>
    %dma_wait3A_683 = tpu.memref_slice %arg3[%multiple_of3A, %multiple_of3A_676] : memref<128x100000xf32, #tpu.memory_space<hbm>> -> memref<8x3840xf32, #tpu.memory_space<hbm>>
    %dma_wait3A_684 = tpu.memref_slice %arg7[%dma_wait3A_678] : memref<2x!tpu.dma_semaphore, #tpu.memory_space<semaphore_mem>> -> memref<1x!tpu.dma_semaphore, #tpu.memory_space<semaphore_mem>>
    %dma_wait3A_685 = tpu.memref_squeeze %dma_wait3A_684 : memref<1x!tpu.dma_semaphore, #tpu.memory_space<semaphore_mem>> -> memref<!tpu.dma_semaphore, #tpu.memory_space<semaphore_mem>>
    %dma_wait3A_686 = tpu.memref_slice %arg3[%multiple_of3A, %multiple_of3A_676] : memref<128x100000xf32, #tpu.memory_space<hbm>> -> memref<8x3840xf32, #tpu.memory_space<hbm>>
    %dma_wait3A_687 = arith.constant 0 : i32
    %dma_wait3A_688 = arith.constant 0 : i32
    %dma_wait3A_689 = tpu.memref_slice %arg4[%dma_wait3A_677, %dma_wait3A_687, %dma_wait3A_688] : memref<2x8x3840xf32, #tpu.memory_space<vmem>> -> memref<1x8x3840xf32, #tpu.memory_space<vmem>>
    %dma_wait3A_690 = tpu.memref_squeeze %dma_wait3A_689 : memref<1x8x3840xf32, #tpu.memory_space<vmem>> -> memref<8x3840xf32, #tpu.memory_space<vmem>>
    tpu.wait_dma2 semaphore(%dma_wait3A_685 : memref<!tpu.dma_semaphore, #tpu.memory_space<semaphore_mem>>) src(%dma_wait3A_690 : memref<8x3840xf32, #tpu.memory_space<vmem>>) dst(%dma_wait3A_686 : memref<8x3840xf32, #tpu.memory_space<hbm>>)
    %add3A_691 = arith.constant 18 : i32
    %add3A_692 = arith.addi %add3A_691, %arg0 : i32
    %mul3A_693 = arith.constant 3840 : i32
    %mul3A_694 = arith.muli %add3A_692, %mul3A_693 : i32
    %add3A_695 = arith.constant 16384 : i32
    %add3A_696 = arith.addi %add3A_695, %mul3A_694 : i32
    %multiple_of3A_697 = tpu.assume_multiple %add3A_696, 128 : i32
    %dma_start3A_698 = arith.constant 1 : i32
    %dma_start3A_699 = arith.constant 1 : i32
    %dma_start3A_700 = arith.constant 0 : i32
    %dma_start3A_701 = arith.constant 0 : i32
    %dma_start3A_702 = tpu.memref_slice %arg4[%dma_start3A_698, %dma_start3A_700, %dma_start3A_701] : memref<2x8x3840xf32, #tpu.memory_space<vmem>> -> memref<1x8x3840xf32, #tpu.memory_space<vmem>>
    %dma_start3A_703 = tpu.memref_squeeze %dma_start3A_702 : memref<1x8x3840xf32, #tpu.memory_space<vmem>> -> memref<8x3840xf32, #tpu.memory_space<vmem>>
    %dma_start3A_704 = tpu.memref_slice %arg2[%multiple_of3A, %multiple_of3A_697] : memref<128x100000xf32, #tpu.memory_space<hbm>> -> memref<8x3840xf32, #tpu.memory_space<hbm>>
    %dma_start3A_705 = tpu.memref_slice %arg6[%dma_start3A_699] : memref<2x!tpu.dma_semaphore, #tpu.memory_space<semaphore_mem>> -> memref<1x!tpu.dma_semaphore, #tpu.memory_space<semaphore_mem>>
    %dma_start3A_706 = tpu.memref_squeeze %dma_start3A_705 : memref<1x!tpu.dma_semaphore, #tpu.memory_space<semaphore_mem>> -> memref<!tpu.dma_semaphore, #tpu.memory_space<semaphore_mem>>
    %dma_start3A_707 = arith.constant 0 : i32
    %dma_start3A_708 = arith.constant 0 : i32
    %dma_start3A_709 = tpu.memref_slice %arg4[%dma_start3A_698, %dma_start3A_707, %dma_start3A_708] : memref<2x8x3840xf32, #tpu.memory_space<vmem>> -> memref<1x8x3840xf32, #tpu.memory_space<vmem>>
    %dma_start3A_710 = tpu.memref_squeeze %dma_start3A_709 : memref<1x8x3840xf32, #tpu.memory_space<vmem>> -> memref<8x3840xf32, #tpu.memory_space<vmem>>
    %dma_start3A_711 = tpu.memref_slice %arg2[%multiple_of3A, %multiple_of3A_697] : memref<128x100000xf32, #tpu.memory_space<hbm>> -> memref<8x3840xf32, #tpu.memory_space<hbm>>
    tpu.enqueue_dma source(%dma_start3A_711 : memref<8x3840xf32, #tpu.memory_space<hbm>>) target(%dma_start3A_710 : memref<8x3840xf32, #tpu.memory_space<vmem>>) target_semaphore(%dma_start3A_706 : memref<!tpu.dma_semaphore, #tpu.memory_space<semaphore_mem>>)
    %add3A_712 = arith.constant 16 : i32
    %add3A_713 = arith.addi %add3A_712, %arg0 : i32
    %mul3A_714 = arith.constant 3840 : i32
    %mul3A_715 = arith.muli %add3A_713, %mul3A_714 : i32
    %add3A_716 = arith.constant 16384 : i32
    %add3A_717 = arith.addi %add3A_716, %mul3A_715 : i32
    %multiple_of3A_718 = tpu.assume_multiple %add3A_717, 128 : i32
    %dma_wait3A_719 = arith.constant 0 : i32
    %dma_wait3A_720 = arith.constant 0 : i32
    %dma_wait3A_721 = arith.constant 0 : i32
    %dma_wait3A_722 = arith.constant 0 : i32
    %dma_wait3A_723 = tpu.memref_slice %arg4[%dma_wait3A_719, %dma_wait3A_721, %dma_wait3A_722] : memref<2x8x3840xf32, #tpu.memory_space<vmem>> -> memref<1x8x3840xf32, #tpu.memory_space<vmem>>
    %dma_wait3A_724 = tpu.memref_squeeze %dma_wait3A_723 : memref<1x8x3840xf32, #tpu.memory_space<vmem>> -> memref<8x3840xf32, #tpu.memory_space<vmem>>
    %dma_wait3A_725 = tpu.memref_slice %arg2[%multiple_of3A, %multiple_of3A_718] : memref<128x100000xf32, #tpu.memory_space<hbm>> -> memref<8x3840xf32, #tpu.memory_space<hbm>>
    %dma_wait3A_726 = tpu.memref_slice %arg6[%dma_wait3A_720] : memref<2x!tpu.dma_semaphore, #tpu.memory_space<semaphore_mem>> -> memref<1x!tpu.dma_semaphore, #tpu.memory_space<semaphore_mem>>
    %dma_wait3A_727 = tpu.memref_squeeze %dma_wait3A_726 : memref<1x!tpu.dma_semaphore, #tpu.memory_space<semaphore_mem>> -> memref<!tpu.dma_semaphore, #tpu.memory_space<semaphore_mem>>
    %dma_wait3A_728 = arith.constant 0 : i32
    %dma_wait3A_729 = arith.constant 0 : i32
    %dma_wait3A_730 = tpu.memref_slice %arg4[%dma_wait3A_719, %dma_wait3A_728, %dma_wait3A_729] : memref<2x8x3840xf32, #tpu.memory_space<vmem>> -> memref<1x8x3840xf32, #tpu.memory_space<vmem>>
    %dma_wait3A_731 = tpu.memref_squeeze %dma_wait3A_730 : memref<1x8x3840xf32, #tpu.memory_space<vmem>> -> memref<8x3840xf32, #tpu.memory_space<vmem>>
    %dma_wait3A_732 = tpu.memref_slice %arg2[%multiple_of3A, %multiple_of3A_718] : memref<128x100000xf32, #tpu.memory_space<hbm>> -> memref<8x3840xf32, #tpu.memory_space<hbm>>
    tpu.wait_dma2 semaphore(%dma_wait3A_727 : memref<!tpu.dma_semaphore, #tpu.memory_space<semaphore_mem>>) src(%dma_wait3A_732 : memref<8x3840xf32, #tpu.memory_space<hbm>>) dst(%dma_wait3A_731 : memref<8x3840xf32, #tpu.memory_space<vmem>>)
    %add3A_733 = arith.constant 16 : i32
    %add3A_734 = arith.addi %add3A_733, %arg0 : i32
    %mul3A_735 = arith.constant 3840 : i32
    %mul3A_736 = arith.muli %add3A_734, %mul3A_735 : i32
    %add3A_737 = arith.constant 16384 : i32
    %add3A_738 = arith.addi %add3A_737, %mul3A_736 : i32
    %multiple_of3A_739 = tpu.assume_multiple %add3A_738, 128 : i32
    %dma_start3A_740 = arith.constant 0 : i32
    %dma_start3A_741 = arith.constant 0 : i32
    %dma_start3A_742 = arith.constant 0 : i32
    %dma_start3A_743 = arith.constant 0 : i32
    %dma_start3A_744 = tpu.memref_slice %arg4[%dma_start3A_740, %dma_start3A_742, %dma_start3A_743] : memref<2x8x3840xf32, #tpu.memory_space<vmem>> -> memref<1x8x3840xf32, #tpu.memory_space<vmem>>
    %dma_start3A_745 = tpu.memref_squeeze %dma_start3A_744 : memref<1x8x3840xf32, #tpu.memory_space<vmem>> -> memref<8x3840xf32, #tpu.memory_space<vmem>>
    %dma_start3A_746 = tpu.memref_slice %arg3[%multiple_of3A, %multiple_of3A_739] : memref<128x100000xf32, #tpu.memory_space<hbm>> -> memref<8x3840xf32, #tpu.memory_space<hbm>>
    %dma_start3A_747 = tpu.memref_slice %arg7[%dma_start3A_741] : memref<2x!tpu.dma_semaphore, #tpu.memory_space<semaphore_mem>> -> memref<1x!tpu.dma_semaphore, #tpu.memory_space<semaphore_mem>>
    %dma_start3A_748 = tpu.memref_squeeze %dma_start3A_747 : memref<1x!tpu.dma_semaphore, #tpu.memory_space<semaphore_mem>> -> memref<!tpu.dma_semaphore, #tpu.memory_space<semaphore_mem>>
    %dma_start3A_749 = tpu.memref_slice %arg3[%multiple_of3A, %multiple_of3A_739] : memref<128x100000xf32, #tpu.memory_space<hbm>> -> memref<8x3840xf32, #tpu.memory_space<hbm>>
    %dma_start3A_750 = arith.constant 0 : i32
    %dma_start3A_751 = arith.constant 0 : i32
    %dma_start3A_752 = tpu.memref_slice %arg4[%dma_start3A_740, %dma_start3A_750, %dma_start3A_751] : memref<2x8x3840xf32, #tpu.memory_space<vmem>> -> memref<1x8x3840xf32, #tpu.memory_space<vmem>>
    %dma_start3A_753 = tpu.memref_squeeze %dma_start3A_752 : memref<1x8x3840xf32, #tpu.memory_space<vmem>> -> memref<8x3840xf32, #tpu.memory_space<vmem>>
    tpu.enqueue_dma source(%dma_start3A_753 : memref<8x3840xf32, #tpu.memory_space<vmem>>) target(%dma_start3A_749 : memref<8x3840xf32, #tpu.memory_space<hbm>>) target_semaphore(%dma_start3A_748 : memref<!tpu.dma_semaphore, #tpu.memory_space<semaphore_mem>>)
    %add3A_754 = arith.constant 18 : i32
    %add3A_755 = arith.addi %add3A_754, %arg0 : i32
    %mul3A_756 = arith.constant 3840 : i32
    %mul3A_757 = arith.muli %add3A_755, %mul3A_756 : i32
    %add3A_758 = arith.constant 16384 : i32
    %add3A_759 = arith.addi %add3A_758, %mul3A_757 : i32
    %multiple_of3A_760 = tpu.assume_multiple %add3A_759, 128 : i32
    %dma_wait3A_761 = arith.constant 1 : i32
    %dma_wait3A_762 = arith.constant 1 : i32
    %dma_wait3A_763 = arith.constant 0 : i32
    %dma_wait3A_764 = arith.constant 0 : i32
    %dma_wait3A_765 = tpu.memref_slice %arg4[%dma_wait3A_761, %dma_wait3A_763, %dma_wait3A_764] : memref<2x8x3840xf32, #tpu.memory_space<vmem>> -> memref<1x8x3840xf32, #tpu.memory_space<vmem>>
    %dma_wait3A_766 = tpu.memref_squeeze %dma_wait3A_765 : memref<1x8x3840xf32, #tpu.memory_space<vmem>> -> memref<8x3840xf32, #tpu.memory_space<vmem>>
    %dma_wait3A_767 = tpu.memref_slice %arg2[%multiple_of3A, %multiple_of3A_760] : memref<128x100000xf32, #tpu.memory_space<hbm>> -> memref<8x3840xf32, #tpu.memory_space<hbm>>
    %dma_wait3A_768 = tpu.memref_slice %arg6[%dma_wait3A_762] : memref<2x!tpu.dma_semaphore, #tpu.memory_space<semaphore_mem>> -> memref<1x!tpu.dma_semaphore, #tpu.memory_space<semaphore_mem>>
    %dma_wait3A_769 = tpu.memref_squeeze %dma_wait3A_768 : memref<1x!tpu.dma_semaphore, #tpu.memory_space<semaphore_mem>> -> memref<!tpu.dma_semaphore, #tpu.memory_space<semaphore_mem>>
    %dma_wait3A_770 = arith.constant 0 : i32
    %dma_wait3A_771 = arith.constant 0 : i32
    %dma_wait3A_772 = tpu.memref_slice %arg4[%dma_wait3A_761, %dma_wait3A_770, %dma_wait3A_771] : memref<2x8x3840xf32, #tpu.memory_space<vmem>> -> memref<1x8x3840xf32, #tpu.memory_space<vmem>>
    %dma_wait3A_773 = tpu.memref_squeeze %dma_wait3A_772 : memref<1x8x3840xf32, #tpu.memory_space<vmem>> -> memref<8x3840xf32, #tpu.memory_space<vmem>>
    %dma_wait3A_774 = tpu.memref_slice %arg2[%multiple_of3A, %multiple_of3A_760] : memref<128x100000xf32, #tpu.memory_space<hbm>> -> memref<8x3840xf32, #tpu.memory_space<hbm>>
    tpu.wait_dma2 semaphore(%dma_wait3A_769 : memref<!tpu.dma_semaphore, #tpu.memory_space<semaphore_mem>>) src(%dma_wait3A_774 : memref<8x3840xf32, #tpu.memory_space<hbm>>) dst(%dma_wait3A_773 : memref<8x3840xf32, #tpu.memory_space<vmem>>)
    %add3A_775 = arith.constant 18 : i32
    %add3A_776 = arith.addi %add3A_775, %arg0 : i32
    %mul3A_777 = arith.constant 3840 : i32
    %mul3A_778 = arith.muli %add3A_776, %mul3A_777 : i32
    %add3A_779 = arith.constant 16384 : i32
    %add3A_780 = arith.addi %add3A_779, %mul3A_778 : i32
    %multiple_of3A_781 = tpu.assume_multiple %add3A_780, 128 : i32
    %dma_start3A_782 = arith.constant 1 : i32
    %dma_start3A_783 = arith.constant 1 : i32
    %dma_start3A_784 = arith.constant 0 : i32
    %dma_start3A_785 = arith.constant 0 : i32
    %dma_start3A_786 = tpu.memref_slice %arg4[%dma_start3A_782, %dma_start3A_784, %dma_start3A_785] : memref<2x8x3840xf32, #tpu.memory_space<vmem>> -> memref<1x8x3840xf32, #tpu.memory_space<vmem>>
    %dma_start3A_787 = tpu.memref_squeeze %dma_start3A_786 : memref<1x8x3840xf32, #tpu.memory_space<vmem>> -> memref<8x3840xf32, #tpu.memory_space<vmem>>
    %dma_start3A_788 = tpu.memref_slice %arg3[%multiple_of3A, %multiple_of3A_781] : memref<128x100000xf32, #tpu.memory_space<hbm>> -> memref<8x3840xf32, #tpu.memory_space<hbm>>
    %dma_start3A_789 = tpu.memref_slice %arg7[%dma_start3A_783] : memref<2x!tpu.dma_semaphore, #tpu.memory_space<semaphore_mem>> -> memref<1x!tpu.dma_semaphore, #tpu.memory_space<semaphore_mem>>
    %dma_start3A_790 = tpu.memref_squeeze %dma_start3A_789 : memref<1x!tpu.dma_semaphore, #tpu.memory_space<semaphore_mem>> -> memref<!tpu.dma_semaphore, #tpu.memory_space<semaphore_mem>>
    %dma_start3A_791 = tpu.memref_slice %arg3[%multiple_of3A, %multiple_of3A_781] : memref<128x100000xf32, #tpu.memory_space<hbm>> -> memref<8x3840xf32, #tpu.memory_space<hbm>>
    %dma_start3A_792 = arith.constant 0 : i32
    %dma_start3A_793 = arith.constant 0 : i32
    %dma_start3A_794 = tpu.memref_slice %arg4[%dma_start3A_782, %dma_start3A_792, %dma_start3A_793] : memref<2x8x3840xf32, #tpu.memory_space<vmem>> -> memref<1x8x3840xf32, #tpu.memory_space<vmem>>
    %dma_start3A_795 = tpu.memref_squeeze %dma_start3A_794 : memref<1x8x3840xf32, #tpu.memory_space<vmem>> -> memref<8x3840xf32, #tpu.memory_space<vmem>>
    tpu.enqueue_dma source(%dma_start3A_795 : memref<8x3840xf32, #tpu.memory_space<vmem>>) target(%dma_start3A_791 : memref<8x3840xf32, #tpu.memory_space<hbm>>) target_semaphore(%dma_start3A_790 : memref<!tpu.dma_semaphore, #tpu.memory_space<semaphore_mem>>)
    %add3A_796 = arith.constant 16 : i32
    %add3A_797 = arith.addi %add3A_796, %arg0 : i32
    %mul3A_798 = arith.constant 3840 : i32
    %mul3A_799 = arith.muli %add3A_797, %mul3A_798 : i32
    %add3A_800 = arith.constant 16384 : i32
    %add3A_801 = arith.addi %add3A_800, %mul3A_799 : i32
    %multiple_of3A_802 = tpu.assume_multiple %add3A_801, 128 : i32
    %dma_wait3A_803 = arith.constant 0 : i32
    %dma_wait3A_804 = arith.constant 0 : i32
    %dma_wait3A_805 = arith.constant 0 : i32
    %dma_wait3A_806 = arith.constant 0 : i32
    %dma_wait3A_807 = tpu.memref_slice %arg4[%dma_wait3A_803, %dma_wait3A_805, %dma_wait3A_806] : memref<2x8x3840xf32, #tpu.memory_space<vmem>> -> memref<1x8x3840xf32, #tpu.memory_space<vmem>>
    %dma_wait3A_808 = tpu.memref_squeeze %dma_wait3A_807 : memref<1x8x3840xf32, #tpu.memory_space<vmem>> -> memref<8x3840xf32, #tpu.memory_space<vmem>>
    %dma_wait3A_809 = tpu.memref_slice %arg3[%multiple_of3A, %multiple_of3A_802] : memref<128x100000xf32, #tpu.memory_space<hbm>> -> memref<8x3840xf32, #tpu.memory_space<hbm>>
    %dma_wait3A_810 = tpu.memref_slice %arg7[%dma_wait3A_804] : memref<2x!tpu.dma_semaphore, #tpu.memory_space<semaphore_mem>> -> memref<1x!tpu.dma_semaphore, #tpu.memory_space<semaphore_mem>>
    %dma_wait3A_811 = tpu.memref_squeeze %dma_wait3A_810 : memref<1x!tpu.dma_semaphore, #tpu.memory_space<semaphore_mem>> -> memref<!tpu.dma_semaphore, #tpu.memory_space<semaphore_mem>>
    %dma_wait3A_812 = tpu.memref_slice %arg3[%multiple_of3A, %multiple_of3A_802] : memref<128x100000xf32, #tpu.memory_space<hbm>> -> memref<8x3840xf32, #tpu.memory_space<hbm>>
    %dma_wait3A_813 = arith.constant 0 : i32
    %dma_wait3A_814 = arith.constant 0 : i32
    %dma_wait3A_815 = tpu.memref_slice %arg4[%dma_wait3A_803, %dma_wait3A_813, %dma_wait3A_814] : memref<2x8x3840xf32, #tpu.memory_space<vmem>> -> memref<1x8x3840xf32, #tpu.memory_space<vmem>>
    %dma_wait3A_816 = tpu.memref_squeeze %dma_wait3A_815 : memref<1x8x3840xf32, #tpu.memory_space<vmem>> -> memref<8x3840xf32, #tpu.memory_space<vmem>>
    tpu.wait_dma2 semaphore(%dma_wait3A_811 : memref<!tpu.dma_semaphore, #tpu.memory_space<semaphore_mem>>) src(%dma_wait3A_816 : memref<8x3840xf32, #tpu.memory_space<vmem>>) dst(%dma_wait3A_812 : memref<8x3840xf32, #tpu.memory_space<hbm>>)
    %eq3A = arith.constant 0 : i32
    %eq3A_817 = arith.cmpi eq, %arg0, %eq3A : i32
    %convert_element_type3A = arith.extui %eq3A_817 : i1 to i32
    %cond3A = arith.constant 0 : i32
    %cond3A_818 = arith.cmpi ne, %convert_element_type3A, %cond3A : i32
    scf.if %cond3A_818 {
      %add3A_845 = arith.constant 20 : i32
      %add3A_846 = arith.addi %add3A_845, %arg0 : i32
      %mul3A_847 = arith.constant 3840 : i32
      %mul3A_848 = arith.muli %add3A_846, %mul3A_847 : i32
      %add3A_849 = arith.constant 16384 : i32
      %add3A_850 = arith.addi %add3A_849, %mul3A_848 : i32
      %multiple_of3A_851 = tpu.assume_multiple %add3A_850, 128 : i32
      %dma_start3A_852 = arith.constant 0 : i32
      %dma_start3A_853 = arith.constant 0 : i32
      %dma_start3A_854 = arith.constant 0 : i32
      %dma_start3A_855 = arith.constant 0 : i32
      %dma_start3A_856 = tpu.memref_slice %arg4[%dma_start3A_852, %dma_start3A_854, %dma_start3A_855] : memref<2x8x3840xf32, #tpu.memory_space<vmem>> -> memref<1x8x3840xf32, #tpu.memory_space<vmem>>
      %dma_start3A_857 = tpu.memref_squeeze %dma_start3A_856 : memref<1x8x3840xf32, #tpu.memory_space<vmem>> -> memref<8x3840xf32, #tpu.memory_space<vmem>>
      %dma_start3A_858 = tpu.memref_slice %arg2[%multiple_of3A, %multiple_of3A_851] : memref<128x100000xf32, #tpu.memory_space<hbm>> -> memref<8x3840xf32, #tpu.memory_space<hbm>>
      %dma_start3A_859 = tpu.memref_slice %arg6[%dma_start3A_853] : memref<2x!tpu.dma_semaphore, #tpu.memory_space<semaphore_mem>> -> memref<1x!tpu.dma_semaphore, #tpu.memory_space<semaphore_mem>>
      %dma_start3A_860 = tpu.memref_squeeze %dma_start3A_859 : memref<1x!tpu.dma_semaphore, #tpu.memory_space<semaphore_mem>> -> memref<!tpu.dma_semaphore, #tpu.memory_space<semaphore_mem>>
      %dma_start3A_861 = arith.constant 0 : i32
      %dma_start3A_862 = arith.constant 0 : i32
      %dma_start3A_863 = tpu.memref_slice %arg4[%dma_start3A_852, %dma_start3A_861, %dma_start3A_862] : memref<2x8x3840xf32, #tpu.memory_space<vmem>> -> memref<1x8x3840xf32, #tpu.memory_space<vmem>>
      %dma_start3A_864 = tpu.memref_squeeze %dma_start3A_863 : memref<1x8x3840xf32, #tpu.memory_space<vmem>> -> memref<8x3840xf32, #tpu.memory_space<vmem>>
      %dma_start3A_865 = tpu.memref_slice %arg2[%multiple_of3A, %multiple_of3A_851] : memref<128x100000xf32, #tpu.memory_space<hbm>> -> memref<8x3840xf32, #tpu.memory_space<hbm>>
      tpu.enqueue_dma source(%dma_start3A_865 : memref<8x3840xf32, #tpu.memory_space<hbm>>) target(%dma_start3A_864 : memref<8x3840xf32, #tpu.memory_space<vmem>>) target_semaphore(%dma_start3A_860 : memref<!tpu.dma_semaphore, #tpu.memory_space<semaphore_mem>>)
      %add3A_866 = arith.constant 20 : i32
      %add3A_867 = arith.addi %add3A_866, %arg0 : i32
      %mul3A_868 = arith.constant 3840 : i32
      %mul3A_869 = arith.muli %add3A_867, %mul3A_868 : i32
      %add3A_870 = arith.constant 16384 : i32
      %add3A_871 = arith.addi %add3A_870, %mul3A_869 : i32
      %multiple_of3A_872 = tpu.assume_multiple %add3A_871, 128 : i32
      %dma_wait3A_873 = arith.constant 0 : i32
      %dma_wait3A_874 = arith.constant 0 : i32
      %dma_wait3A_875 = arith.constant 0 : i32
      %dma_wait3A_876 = arith.constant 0 : i32
      %dma_wait3A_877 = tpu.memref_slice %arg4[%dma_wait3A_873, %dma_wait3A_875, %dma_wait3A_876] : memref<2x8x3840xf32, #tpu.memory_space<vmem>> -> memref<1x8x3840xf32, #tpu.memory_space<vmem>>
      %dma_wait3A_878 = tpu.memref_squeeze %dma_wait3A_877 : memref<1x8x3840xf32, #tpu.memory_space<vmem>> -> memref<8x3840xf32, #tpu.memory_space<vmem>>
      %dma_wait3A_879 = tpu.memref_slice %arg2[%multiple_of3A, %multiple_of3A_872] : memref<128x100000xf32, #tpu.memory_space<hbm>> -> memref<8x3840xf32, #tpu.memory_space<hbm>>
      %dma_wait3A_880 = tpu.memref_slice %arg6[%dma_wait3A_874] : memref<2x!tpu.dma_semaphore, #tpu.memory_space<semaphore_mem>> -> memref<1x!tpu.dma_semaphore, #tpu.memory_space<semaphore_mem>>
      %dma_wait3A_881 = tpu.memref_squeeze %dma_wait3A_880 : memref<1x!tpu.dma_semaphore, #tpu.memory_space<semaphore_mem>> -> memref<!tpu.dma_semaphore, #tpu.memory_space<semaphore_mem>>
      %dma_wait3A_882 = arith.constant 0 : i32
      %dma_wait3A_883 = arith.constant 0 : i32
      %dma_wait3A_884 = tpu.memref_slice %arg4[%dma_wait3A_873, %dma_wait3A_882, %dma_wait3A_883] : memref<2x8x3840xf32, #tpu.memory_space<vmem>> -> memref<1x8x3840xf32, #tpu.memory_space<vmem>>
      %dma_wait3A_885 = tpu.memref_squeeze %dma_wait3A_884 : memref<1x8x3840xf32, #tpu.memory_space<vmem>> -> memref<8x3840xf32, #tpu.memory_space<vmem>>
      %dma_wait3A_886 = tpu.memref_slice %arg2[%multiple_of3A, %multiple_of3A_872] : memref<128x100000xf32, #tpu.memory_space<hbm>> -> memref<8x3840xf32, #tpu.memory_space<hbm>>
      tpu.wait_dma2 semaphore(%dma_wait3A_881 : memref<!tpu.dma_semaphore, #tpu.memory_space<semaphore_mem>>) src(%dma_wait3A_886 : memref<8x3840xf32, #tpu.memory_space<hbm>>) dst(%dma_wait3A_885 : memref<8x3840xf32, #tpu.memory_space<vmem>>)
      %add3A_887 = arith.constant 20 : i32
      %add3A_888 = arith.addi %add3A_887, %arg0 : i32
      %mul3A_889 = arith.constant 3840 : i32
      %mul3A_890 = arith.muli %add3A_888, %mul3A_889 : i32
      %add3A_891 = arith.constant 16384 : i32
      %add3A_892 = arith.addi %add3A_891, %mul3A_890 : i32
      %multiple_of3A_893 = tpu.assume_multiple %add3A_892, 128 : i32
      %dma_start3A_894 = arith.constant 0 : i32
      %dma_start3A_895 = arith.constant 0 : i32
      %dma_start3A_896 = arith.constant 0 : i32
      %dma_start3A_897 = arith.constant 0 : i32
      %dma_start3A_898 = tpu.memref_slice %arg4[%dma_start3A_894, %dma_start3A_896, %dma_start3A_897] : memref<2x8x3840xf32, #tpu.memory_space<vmem>> -> memref<1x8x3840xf32, #tpu.memory_space<vmem>>
      %dma_start3A_899 = tpu.memref_squeeze %dma_start3A_898 : memref<1x8x3840xf32, #tpu.memory_space<vmem>> -> memref<8x3840xf32, #tpu.memory_space<vmem>>
      %dma_start3A_900 = tpu.memref_slice %arg3[%multiple_of3A, %multiple_of3A_893] : memref<128x100000xf32, #tpu.memory_space<hbm>> -> memref<8x3840xf32, #tpu.memory_space<hbm>>
      %dma_start3A_901 = tpu.memref_slice %arg7[%dma_start3A_895] : memref<2x!tpu.dma_semaphore, #tpu.memory_space<semaphore_mem>> -> memref<1x!tpu.dma_semaphore, #tpu.memory_space<semaphore_mem>>
      %dma_start3A_902 = tpu.memref_squeeze %dma_start3A_901 : memref<1x!tpu.dma_semaphore, #tpu.memory_space<semaphore_mem>> -> memref<!tpu.dma_semaphore, #tpu.memory_space<semaphore_mem>>
      %dma_start3A_903 = tpu.memref_slice %arg3[%multiple_of3A, %multiple_of3A_893] : memref<128x100000xf32, #tpu.memory_space<hbm>> -> memref<8x3840xf32, #tpu.memory_space<hbm>>
      %dma_start3A_904 = arith.constant 0 : i32
      %dma_start3A_905 = arith.constant 0 : i32
      %dma_start3A_906 = tpu.memref_slice %arg4[%dma_start3A_894, %dma_start3A_904, %dma_start3A_905] : memref<2x8x3840xf32, #tpu.memory_space<vmem>> -> memref<1x8x3840xf32, #tpu.memory_space<vmem>>
      %dma_start3A_907 = tpu.memref_squeeze %dma_start3A_906 : memref<1x8x3840xf32, #tpu.memory_space<vmem>> -> memref<8x3840xf32, #tpu.memory_space<vmem>>
      tpu.enqueue_dma source(%dma_start3A_907 : memref<8x3840xf32, #tpu.memory_space<vmem>>) target(%dma_start3A_903 : memref<8x3840xf32, #tpu.memory_space<hbm>>) target_semaphore(%dma_start3A_902 : memref<!tpu.dma_semaphore, #tpu.memory_space<semaphore_mem>>)
      %add3A_908 = arith.constant 20 : i32
      %add3A_909 = arith.addi %add3A_908, %arg0 : i32
      %mul3A_910 = arith.constant 3840 : i32
      %mul3A_911 = arith.muli %add3A_909, %mul3A_910 : i32
      %add3A_912 = arith.constant 16384 : i32
      %add3A_913 = arith.addi %add3A_912, %mul3A_911 : i32
      %multiple_of3A_914 = tpu.assume_multiple %add3A_913, 128 : i32
      %dma_wait3A_915 = arith.constant 0 : i32
      %dma_wait3A_916 = arith.constant 0 : i32
      %dma_wait3A_917 = arith.constant 0 : i32
      %dma_wait3A_918 = arith.constant 0 : i32
      %dma_wait3A_919 = tpu.memref_slice %arg4[%dma_wait3A_915, %dma_wait3A_917, %dma_wait3A_918] : memref<2x8x3840xf32, #tpu.memory_space<vmem>> -> memref<1x8x3840xf32, #tpu.memory_space<vmem>>
      %dma_wait3A_920 = tpu.memref_squeeze %dma_wait3A_919 : memref<1x8x3840xf32, #tpu.memory_space<vmem>> -> memref<8x3840xf32, #tpu.memory_space<vmem>>
      %dma_wait3A_921 = tpu.memref_slice %arg3[%multiple_of3A, %multiple_of3A_914] : memref<128x100000xf32, #tpu.memory_space<hbm>> -> memref<8x3840xf32, #tpu.memory_space<hbm>>
      %dma_wait3A_922 = tpu.memref_slice %arg7[%dma_wait3A_916] : memref<2x!tpu.dma_semaphore, #tpu.memory_space<semaphore_mem>> -> memref<1x!tpu.dma_semaphore, #tpu.memory_space<semaphore_mem>>
      %dma_wait3A_923 = tpu.memref_squeeze %dma_wait3A_922 : memref<1x!tpu.dma_semaphore, #tpu.memory_space<semaphore_mem>> -> memref<!tpu.dma_semaphore, #tpu.memory_space<semaphore_mem>>
      %dma_wait3A_924 = tpu.memref_slice %arg3[%multiple_of3A, %multiple_of3A_914] : memref<128x100000xf32, #tpu.memory_space<hbm>> -> memref<8x3840xf32, #tpu.memory_space<hbm>>
      %dma_wait3A_925 = arith.constant 0 : i32
      %dma_wait3A_926 = arith.constant 0 : i32
      %dma_wait3A_927 = tpu.memref_slice %arg4[%dma_wait3A_915, %dma_wait3A_925, %dma_wait3A_926] : memref<2x8x3840xf32, #tpu.memory_space<vmem>> -> memref<1x8x3840xf32, #tpu.memory_space<vmem>>
      %dma_wait3A_928 = tpu.memref_squeeze %dma_wait3A_927 : memref<1x8x3840xf32, #tpu.memory_space<vmem>> -> memref<8x3840xf32, #tpu.memory_space<vmem>>
      tpu.wait_dma2 semaphore(%dma_wait3A_923 : memref<!tpu.dma_semaphore, #tpu.memory_space<semaphore_mem>>) src(%dma_wait3A_928 : memref<8x3840xf32, #tpu.memory_space<vmem>>) dst(%dma_wait3A_924 : memref<8x3840xf32, #tpu.memory_space<hbm>>)
    } else {
    }
    %eq3A_819 = arith.constant 1 : i32
    %eq3A_820 = arith.cmpi eq, %arg0, %eq3A_819 : i32
    %convert_element_type3A_821 = arith.extui %eq3A_820 : i1 to i32
    %cond3A_822 = arith.constant 0 : i32
    %cond3A_823 = arith.cmpi ne, %convert_element_type3A_821, %cond3A_822 : i32
    scf.if %cond3A_823 {
      %dma_start3A_845 = arith.constant 0 : i32
      %dma_start3A_846 = arith.constant 97024 : i32
      %dma_start3A_847 = tpu.memref_slice %arg2[%multiple_of3A, %dma_start3A_846] : memref<128x100000xf32, #tpu.memory_space<hbm>> -> memref<8x2976xf32, #tpu.memory_space<hbm>>
      %dma_start3A_848 = tpu.memref_slice %arg8[%dma_start3A_845] : memref<2x!tpu.dma_semaphore, #tpu.memory_space<semaphore_mem>> -> memref<1x!tpu.dma_semaphore, #tpu.memory_space<semaphore_mem>>
      %dma_start3A_849 = tpu.memref_squeeze %dma_start3A_848 : memref<1x!tpu.dma_semaphore, #tpu.memory_space<semaphore_mem>> -> memref<!tpu.dma_semaphore, #tpu.memory_space<semaphore_mem>>
      %dma_start3A_850 = arith.constant 97024 : i32
      %dma_start3A_851 = tpu.memref_slice %arg2[%multiple_of3A, %dma_start3A_850] : memref<128x100000xf32, #tpu.memory_space<hbm>> -> memref<8x2976xf32, #tpu.memory_space<hbm>>
      tpu.enqueue_dma source(%dma_start3A_851 : memref<8x2976xf32, #tpu.memory_space<hbm>>) target(%arg5 : memref<8x2976xf32, #tpu.memory_space<vmem>>) target_semaphore(%dma_start3A_849 : memref<!tpu.dma_semaphore, #tpu.memory_space<semaphore_mem>>)
      %dma_wait3A_852 = arith.constant 0 : i32
      %dma_wait3A_853 = arith.constant 97024 : i32
      %dma_wait3A_854 = tpu.memref_slice %arg2[%multiple_of3A, %dma_wait3A_853] : memref<128x100000xf32, #tpu.memory_space<hbm>> -> memref<8x2976xf32, #tpu.memory_space<hbm>>
      %dma_wait3A_855 = tpu.memref_slice %arg8[%dma_wait3A_852] : memref<2x!tpu.dma_semaphore, #tpu.memory_space<semaphore_mem>> -> memref<1x!tpu.dma_semaphore, #tpu.memory_space<semaphore_mem>>
      %dma_wait3A_856 = tpu.memref_squeeze %dma_wait3A_855 : memref<1x!tpu.dma_semaphore, #tpu.memory_space<semaphore_mem>> -> memref<!tpu.dma_semaphore, #tpu.memory_space<semaphore_mem>>
      %dma_wait3A_857 = arith.constant 97024 : i32
      %dma_wait3A_858 = tpu.memref_slice %arg2[%multiple_of3A, %dma_wait3A_857] : memref<128x100000xf32, #tpu.memory_space<hbm>> -> memref<8x2976xf32, #tpu.memory_space<hbm>>
      tpu.wait_dma2 semaphore(%dma_wait3A_856 : memref<!tpu.dma_semaphore, #tpu.memory_space<semaphore_mem>>) src(%dma_wait3A_858 : memref<8x2976xf32, #tpu.memory_space<hbm>>) dst(%arg5 : memref<8x2976xf32, #tpu.memory_space<vmem>>)
      %dma_start3A_859 = arith.constant 1 : i32
      %dma_start3A_860 = arith.constant 97024 : i32
      %dma_start3A_861 = tpu.memref_slice %arg3[%multiple_of3A, %dma_start3A_860] : memref<128x100000xf32, #tpu.memory_space<hbm>> -> memref<8x2976xf32, #tpu.memory_space<hbm>>
      %dma_start3A_862 = tpu.memref_slice %arg8[%dma_start3A_859] : memref<2x!tpu.dma_semaphore, #tpu.memory_space<semaphore_mem>> -> memref<1x!tpu.dma_semaphore, #tpu.memory_space<semaphore_mem>>
      %dma_start3A_863 = tpu.memref_squeeze %dma_start3A_862 : memref<1x!tpu.dma_semaphore, #tpu.memory_space<semaphore_mem>> -> memref<!tpu.dma_semaphore, #tpu.memory_space<semaphore_mem>>
      %dma_start3A_864 = arith.constant 97024 : i32
      %dma_start3A_865 = tpu.memref_slice %arg3[%multiple_of3A, %dma_start3A_864] : memref<128x100000xf32, #tpu.memory_space<hbm>> -> memref<8x2976xf32, #tpu.memory_space<hbm>>
      tpu.enqueue_dma source(%arg5 : memref<8x2976xf32, #tpu.memory_space<vmem>>) target(%dma_start3A_865 : memref<8x2976xf32, #tpu.memory_space<hbm>>) target_semaphore(%dma_start3A_863 : memref<!tpu.dma_semaphore, #tpu.memory_space<semaphore_mem>>)
      %dma_wait3A_866 = arith.constant 1 : i32
      %dma_wait3A_867 = arith.constant 97024 : i32
      %dma_wait3A_868 = tpu.memref_slice %arg3[%multiple_of3A, %dma_wait3A_867] : memref<128x100000xf32, #tpu.memory_space<hbm>> -> memref<8x2976xf32, #tpu.memory_space<hbm>>
      %dma_wait3A_869 = tpu.memref_slice %arg8[%dma_wait3A_866] : memref<2x!tpu.dma_semaphore, #tpu.memory_space<semaphore_mem>> -> memref<1x!tpu.dma_semaphore, #tpu.memory_space<semaphore_mem>>
      %dma_wait3A_870 = tpu.memref_squeeze %dma_wait3A_869 : memref<1x!tpu.dma_semaphore, #tpu.memory_space<semaphore_mem>> -> memref<!tpu.dma_semaphore, #tpu.memory_space<semaphore_mem>>
      %dma_wait3A_871 = arith.constant 97024 : i32
      %dma_wait3A_872 = tpu.memref_slice %arg3[%multiple_of3A, %dma_wait3A_871] : memref<128x100000xf32, #tpu.memory_space<hbm>> -> memref<8x2976xf32, #tpu.memory_space<hbm>>
      tpu.wait_dma2 semaphore(%dma_wait3A_870 : memref<!tpu.dma_semaphore, #tpu.memory_space<semaphore_mem>>) src(%arg5 : memref<8x2976xf32, #tpu.memory_space<vmem>>) dst(%dma_wait3A_872 : memref<8x2976xf32, #tpu.memory_space<hbm>>)
    } else {
    }
    %add3A_824 = arith.constant 18 : i32
    %add3A_825 = arith.addi %add3A_824, %arg0 : i32
    %mul3A_826 = arith.constant 3840 : i32
    %mul3A_827 = arith.muli %add3A_825, %mul3A_826 : i32
    %add3A_828 = arith.constant 16384 : i32
    %add3A_829 = arith.addi %add3A_828, %mul3A_827 : i32
    %multiple_of3A_830 = tpu.assume_multiple %add3A_829, 128 : i32
    %dma_wait3A_831 = arith.constant 1 : i32
    %dma_wait3A_832 = arith.constant 1 : i32
    %dma_wait3A_833 = arith.constant 0 : i32
    %dma_wait3A_834 = arith.constant 0 : i32
    %dma_wait3A_835 = tpu.memref_slice %arg4[%dma_wait3A_831, %dma_wait3A_833, %dma_wait3A_834] : memref<2x8x3840xf32, #tpu.memory_space<vmem>> -> memref<1x8x3840xf32, #tpu.memory_space<vmem>>
    %dma_wait3A_836 = tpu.memref_squeeze %dma_wait3A_835 : memref<1x8x3840xf32, #tpu.memory_space<vmem>> -> memref<8x3840xf32, #tpu.memory_space<vmem>>
    %dma_wait3A_837 = tpu.memref_slice %arg3[%multiple_of3A, %multiple_of3A_830] : memref<128x100000xf32, #tpu.memory_space<hbm>> -> memref<8x3840xf32, #tpu.memory_space<hbm>>
    %dma_wait3A_838 = tpu.memref_slice %arg7[%dma_wait3A_832] : memref<2x!tpu.dma_semaphore, #tpu.memory_space<semaphore_mem>> -> memref<1x!tpu.dma_semaphore, #tpu.memory_space<semaphore_mem>>
    %dma_wait3A_839 = tpu.memref_squeeze %dma_wait3A_838 : memref<1x!tpu.dma_semaphore, #tpu.memory_space<semaphore_mem>> -> memref<!tpu.dma_semaphore, #tpu.memory_space<semaphore_mem>>
    %dma_wait3A_840 = tpu.memref_slice %arg3[%multiple_of3A, %multiple_of3A_830] : memref<128x100000xf32, #tpu.memory_space<hbm>> -> memref<8x3840xf32, #tpu.memory_space<hbm>>
    %dma_wait3A_841 = arith.constant 0 : i32
    %dma_wait3A_842 = arith.constant 0 : i32
    %dma_wait3A_843 = tpu.memref_slice %arg4[%dma_wait3A_831, %dma_wait3A_841, %dma_wait3A_842] : memref<2x8x3840xf32, #tpu.memory_space<vmem>> -> memref<1x8x3840xf32, #tpu.memory_space<vmem>>
    %dma_wait3A_844 = tpu.memref_squeeze %dma_wait3A_843 : memref<1x8x3840xf32, #tpu.memory_space<vmem>> -> memref<8x3840xf32, #tpu.memory_space<vmem>>
    tpu.wait_dma2 semaphore(%dma_wait3A_839 : memref<!tpu.dma_semaphore, #tpu.memory_space<semaphore_mem>>) src(%dma_wait3A_844 : memref<8x3840xf32, #tpu.memory_space<vmem>>) dst(%dma_wait3A_840 : memref<8x3840xf32, #tpu.memory_space<hbm>>)
    return
  }
}

module attributes {stable_mosaic.version = 14 : i64} {
  func.func @_xpose_body(%arg0: i32, %arg1: memref<2048x128xf32, #tpu.memory_space<vmem>>, %arg2: memref<128x100000xf32, #tpu.memory_space<any>>, %arg3: memref<128x2048xf32, #tpu.memory_space<vmem>>) attributes {dimension_semantics = [#tpu.dimension_semantics<arbitrary>], iteration_bounds = array<i64: 8>, scalar_prefetch = 0 : i64, scratch_operands = 0 : i64, tpu.core_type = #tpu.core_type<tc>, window_params = [{transform_indices = @transform_0, window_bounds = array<i64: 2048, 128>}, {}, {transform_indices = @transform_2, window_bounds = array<i64: 128, 2048>}]} {
    %get3A = arith.constant 0 : index
    %get3A_0 = arith.constant 0 : index
    %get3A_1 = vector.load %arg1[%get3A, %get3A_0] : memref<2048x128xf32, #tpu.memory_space<vmem>>, vector<2048x128xf32>
    %transpose3A = tpu.transpose %get3A_1, [1, 0] : vector<2048x128xf32> -> vector<128x2048xf32>
    %swap3A = arith.constant 0 : index
    %swap3A_2 = arith.constant 0 : index
    %swap3A_3 = vector.load %arg3[%swap3A, %swap3A_2] : memref<128x2048xf32, #tpu.memory_space<vmem>>, vector<128x2048xf32>
    tpu.vector_store %arg3[%swap3A, %swap3A_2], %transpose3A {strides = array<i32>} : memref<128x2048xf32, #tpu.memory_space<vmem>>, vector<128x2048xf32>,
    return
  }
  func.func @transform_0(%arg0: i32) -> (i32, i32) {
    %c0_i32 = arith.constant 0 : i32
    %c0_i32_0 = arith.constant 0 : i32
    return %arg0, %c0_i32 : i32, i32
  }
  func.func @transform_2(%arg0: i32) -> (i32, i32) {
    %c0_i32 = arith.constant 0 : i32
    %c0_i32_0 = arith.constant 0 : i32
    return %c0_i32, %arg0 : i32, i32
  }
}

</mosaic_0001>

<sc_bundles>
// kernel: kernel.4.cloned.1.call-start
scs
__scs_entry_jumppad:
0x0: {  	(pc) =	sbr.rel $0x88, $3  }
0x1: {  	(tag) =	ssettag $0x0;
	lr =	simm.s32 $0x1  }
0x2: {  	[smem:$0x3F9F] =	sst lr;
	_ =	strace $0xD0000000  }
0x3: {  	_ = 	snop  }
0x4: {  	_ = 	snop  }
0x5: {  	_ = 	snop  }
0x6: {  	_ = 	snop  }
0x7: {  	_ = 	snop  }
__scs_overlays_trampoline_lowered:
0x8: {  	[smem:$0x3FAE] =	sst s0  }
0x9: {  	[smem:$0x3FAF] =	sst s1  }
0xa: {  	[smem:$0x3FB0] =	sst s2  }
0xb: {  	[smem:$0x3FB1] =	sst s3  }
0xc: {  	[smem:$0x3FB2] =	sst s4  }
0xd: {  	[smem:$0x3FB3] =	sst s5  }
0xe: {  	[smem:$0x3FB4] =	sst s6  }
0xf: {  	[smem:$0x3FB5] =	sst s7  }
0x10: {  	[smem:$0x3FB6] =	sst s8  }
0x11: {  	[smem:$0x3FB7] =	sst s9;
	s0 =	simm.s32 @!p0 $0x0  }
0x12: {  	s1 =	sld [smem:$0x3F9D];
	s0 =	simm.s32 @p0 $0x1  }
0x13: {  	[smem:$0x3FB8] =	sst s0;
	s0 =	simm.s32 @!p1 $0x0  }
0x14: {  	s2 =	sld [smem:$0x3F9C];
	s0 =	simm.s32 @p1 $0x1  }
0x15: {  	[smem:$0x3FB9] =	sst s0;
	s0 =	simm.s32 @!p2 $0x0  }
0x16: {  	s3 =	sld [smem:$0x3FDB];
	s0 =	simm.s32 @p2 $0x1  }
0x17: {  	s4 =	simm.s32 $0x1BF5;
	[smem:$0x3FBB] =	sst s0  }
0x18: {  	s0 =	sld [smem:$0x3F9E];
	_ =	swait.ge [sflag:s4], $0x0  }
0x19: {  	s7 =	sld [smem:$0x3F9F]  }
0x1a: {  	s8 =	sadd.s32 $0xFFFFE003, lr  }
0x1b: {  	s9 =	sadd.s32 $0xFFFFFEF7, lr;
	s5 =	simm.s32 $0xFFFFFFFF;
	p2 =	slt.u32 s8, $0xFFFFF086  }
0x1c: {  	p1 =	slt.u32 s9, $0xF7A;
	s5 =	simm.s32 @!p2 $0x0  }
0x1d: {  	s5 =	simm.s32 @p1 $0x1;
	p0 =	seq.s32 s7, s2  }
0x1e: {  	s7 =	smul.u32 @!p0 $0xF7A, s2;
	p2 =	seq.s32 @!p0 s5, $0x0  }
0x1f: {  	s9 =	smul.u32 $0xF7A, s1;
	s8 =	simm.s32 @!p0 $0x1BF5;
	p2 =	por !p2, p0  }
0x20: {  	[sflag:s8] =	ssyncset.s32 @!p0 $0xFFFFF086;
	s6 =	sadd.s32 @!p0 s3, s7;
	s7 =	simm.s32 @!p0 $0x108  }
0x21: {  	s3 =	sadd.s32 s3, s9;
	s6 =	sadd.s32 @!p0 $0x88, s6;
	s7 =	simm.s32 @p2 $0x1082  }
0x22: {  	[simem:s7], [sflag:s8] =	dma.local @!p0 [hbm:s6], $0xF7A  }
0x23: {  	s9 =	sor.u32 $0xD0000000, s2;
	s6 =	simm.s32 $0x108;
	_ =	swait.ge @!p0 [sflag:s8], $0x0  }
0x24: {  	s3 =	sadd.s32 $0x88, s3;
	s6 =	simm.s32 @!p1 $0x1082;
	[sflag:s4] =	ssyncset.s32 $0xFFFFF086  }
0x25: {  	[simem:s6], [sflag:s4] =	dma.local [hbm:s3], $0xF7A  }
0x26: {  	[smem:$0x3F9F] =	sst s1;
	(tag) =	ssettag s2;
	_ =	strace s9  }
0x27: {  	s1 =	sld [smem:$0x3FAF]  }
0x28: {  	s2 =	sld [smem:$0x3FB0]  }
0x29: {  	s4 =	sld [smem:$0x3FB2]  }
0x2a: {  	p0 =	seq.s32 s5, $0x0;
	s5 =	sld [smem:$0x3FB3]  }
0x2b: {  	s6 =	sld [smem:$0x3FB4]  }
0x2c: {  	s7 =	sld [smem:$0x3FB5]  }
0x2d: {  	s3 =	simm.s32 $0x108;
	s8 =	sld [smem:$0x3FB6]  }
0x2e: {  	s3 =	simm.s32 @!p0 $0x1082;
	s9 =	sld [smem:$0x3FB7]  }
0x2f: {  	lr =	sadd.s32 s0, s3;
	s0 =	sld [smem:$0x3FAE]  }
0x30: {  	s3 =	sld [smem:$0x3FB1]  }
0x31: {  	[smem:$0x3FBA] =	sst s10  }
0x32: {  	s10 =	sld [smem:$0x3FB8];
	_ =	sdelay $0x3  }
0x33: {  	p0 =	seq.s32 s10, $0x1;
	s10 =	sld [smem:$0x3FBA];
	_ =	sdelay $0x3  }
0x34: {  	[smem:$0x3FBA] =	sst s10  }
0x35: {  	s10 =	sld [smem:$0x3FB9];
	_ =	sdelay $0x3  }
0x36: {  	p1 =	seq.s32 s10, $0x1;
	s10 =	sld [smem:$0x3FBA];
	_ =	sdelay $0x3  }
0x37: {  	[smem:$0x3FBA] =	sst s10  }
0x38: {  	s10 =	sld [smem:$0x3FBB]  }
0x39: {  	_ = 	snop;
	(pc) =	sbr.ind lr, $3  }
0x3a: {  	_ = 	snop  }
0x3b: {  	_ = 	snop  }
0x3c: {  	p2 =	seq.s32 s10, $0x1;
	s10 =	sld [smem:$0x3FBA]  }
0x3d: {  	_ =	shalt  }
0x3e: {  	_ =	shalt  }
0x3f: {  	_ =	shalt  }
0x40: {  	_ =	shalt  }
0x41: {  	_ =	shalt  }
0x42: {  	_ =	shalt  }
0x43: {  	_ =	shalt  }
0x44: {  	_ =	shalt  }
0x45: {  	_ =	shalt  }
0x46: {  	_ =	shalt  }
0x47: {  	_ =	shalt  }
0x48: {  	_ =	shalt  }
0x49: {  	_ =	shalt  }
0x4a: {  	_ =	shalt  }
0x4b: {  	_ =	shalt  }
0x4c: {  	_ =	shalt  }
0x4d: {  	_ =	shalt  }
0x4e: {  	_ =	shalt  }
0x4f: {  	_ =	shalt  }
0x50: {  	_ =	shalt  }
0x51: {  	_ =	shalt  }
0x52: {  	_ =	shalt  }
0x53: {  	_ =	shalt  }
0x54: {  	_ =	shalt  }
0x55: {  	_ =	shalt  }
0x56: {  	_ =	shalt  }
0x57: {  	_ =	shalt  }
0x58: {  	_ =	shalt  }
0x59: {  	_ =	shalt  }
0x5a: {  	_ =	shalt  }
0x5b: {  	_ =	shalt  }
0x5c: {  	_ =	shalt  }
0x5d: {  	_ =	shalt  }
0x5e: {  	_ =	shalt  }
0x5f: {  	_ =	shalt  }
0x60: {  	_ =	shalt  }
0x61: {  	_ =	shalt  }
0x62: {  	_ =	shalt  }
0x63: {  	_ =	shalt  }
0x64: {  	_ =	shalt  }
0x65: {  	_ =	shalt  }
0x66: {  	_ =	shalt  }
0x67: {  	_ =	shalt  }
0x68: {  	_ =	shalt  }
0x69: {  	_ =	shalt  }
0x6a: {  	_ =	shalt  }
0x6b: {  	_ =	shalt  }
0x6c: {  	_ =	shalt  }
0x6d: {  	_ =	shalt  }
0x6e: {  	_ =	shalt  }
0x6f: {  	_ =	shalt  }
0x70: {  	_ =	shalt  }
0x71: {  	_ =	shalt  }
0x72: {  	_ =	shalt  }
0x73: {  	_ =	shalt  }
0x74: {  	_ =	shalt  }
0x75: {  	_ =	shalt  }
0x76: {  	_ =	shalt  }
0x77: {  	_ =	shalt  }
0x78: {  	_ =	shalt  }
0x79: {  	_ =	shalt  }
0x7a: {  	_ =	shalt  }
0x7b: {  	_ =	shalt  }
0x7c: {  	_ =	shalt  }
0x7d: {  	_ =	shalt  }
0x7e: {  	_ =	shalt  }
0x7f: {  	_ =	shalt  }
0x80: {  	_ =	shalt  }
0x81: {  	_ =	shalt  }
0x82: {  	_ =	shalt  }
0x83: {  	_ =	shalt  }
0x84: {  	_ =	shalt  }
0x85: {  	_ =	shalt  }
0x86: {  	_ =	shalt  }
0x87: {  	_ =	shalt  }
.Lfunc_end0:
.L_simem_size_0:
called_computation_lowered:
.L_overlay_start_0:
0x88: {  	s2 =	sld [smem:$0x3FD9]  }
0x89: {  	s3 =	sld [smem:$0x3FFE];
	_ =	sdelay $0x1  }
0x8a: {  	s1 =	srdreg.scid  }
0x8b: {  	s0 =	sand.u32 $0x1, s1  }
0x8c: {  	s16 =	sshll.u32 s0, $0xA;
	s2 =	sadd.s32 s3, s2  }
0x8d: {  	s2 =	sadd.s32 s2, s16  }
0x8e: {  	[smem:$0x3FC6] =	sst s2  }
0x8f: {  	_ = 	snop  }
0x90: {  	(tm) =	ssettm $0x1  }
0x91: {  	s17 =	sld [smem:$0x3FFB];
	_ =	sdelay $0x3  }
0x92: {  	_ =	strace s17  }
0x93: {  	s2 =	sld [smem:$0x3FFC];
	_ =	sdelay $0x3  }
0x94: {  	_ =	strace s2  }
0x95: {  	s2 =	sld [smem:$0x3FFD];
	_ =	sdelay $0x3  }
0x96: {  	_ =	strace s2  }
0x97: {  	_ =	strace $0x8FFFFFFF  }
0x98: {  	s18 =	sld [smem:$0x3FDB];
	_ =	sdelay $0x1  }
0x99: {  	s19 =	simm.s32 $_scs_section_size  }
0x9a: {  	s4 =	simm.s32 $_size__tile_overlayer_lowered;
	s5 =	simm.s32 $_tile_overlayer_lowered  }
0x9b: {  	s22 =	simm.s32 $0x1BFF;
	s21 =	sshll.u32 s5, $0x1;
	s2 =	sadd.s32 s19, s18  }
0x9c: {  	s6 =	simm.s32 $0x0;
	s20 =	sshll.u32 s4, $0x1;
	s4 =	sadd.s32 s21, s2  }
0x9d: {  	[timem:s6], [sflag:s22] =	dma.local [hbm:s4], s20  }
0x9e: {  	_ =	swait.ge [sflag:s22], s20  }
0x9f: {  	s3 =	ssub.s32 $0x0, s20;
	[sflag:s22] =	ssyncset.done $0x0  }
0xa0: {  	[sflag:s22] =	ssyncadd.s32 s3;
	_ =	sdelay $0x1  }
0xa1: {  	s23 =	simm.s32 $0x1B8B  }
0xa2: {  	_ =	swait.ge [sflag:s23], $0x1  }
0xa3: {  	[sflag:s23] =	ssyncset.done $0x0  }
0xa4: {  	s25 =	simm.s32 $0x1B8E;
	s24 =	sld [smem:$0x3FFE];
	[sflag:s23] =	ssyncadd.s32 $0xFFFFFFFF  }
0xa5: {  	s26 =	simm.s32 $execute0_lowered;
	[smem:$0x3FD2] =	sst s25  }
0xa6: {  	s4 =	sshll.u32 s26, $0x1;
	_ =	strace $0x80000046;
	[dreg:$0x1] =	wrdreg $0xFFFFFFFF  }
0xa7: {  	s28 =	simm.s32 $_size_execute0_lowered;
	s2 =	sadd.s32 s2, s4;
	[dreg:$0x0] =	wrdreg $0x0  }
0xa8: {  	s4 =	sshll.u32 s28, $0x1;
	[dreg:$0x2] =	wrdreg s2  }
0xa9: {  	[dreg:$0x3] =	wrdreg s4  }
0xaa: {  	[dreg:$0x4] =	wrdreg $0xC0  }
0xab: {  	_ =	task [dreg:s6], $0x5FFFF  }
0xac: {  	[dreg:$0x1] =	wrdreg $0xFFFFFFFF  }
0xad: {  	[dreg:$0x0] =	wrdreg $0x60  }
0xae: {  	[dreg:$0x2] =	wrdreg s24  }
0xaf: {  	[dreg:$0x3] =	wrdreg $0x9  }
0xb0: {  	_ =	task.clear_ibuf [dreg:s6], $0x4FFFF;
	_ =	strace $0x90000046  }
0xb1: {  	s29 =	simm.s32 $0x9;
	_ =	strace $0x80000048  }
0xb2: {  	_ =	swait.ge [sflag:s29], $0x1  }
0xb3: {  	[sflag:s29] =	ssyncadd.s32 $0xFFFFFFFF  }
0xb4: {  	_ =	strace $0x90000048  }
0xb5: {  	_ =	sfence  }
0xb6: {  	s30 =	sld [smem:$0x0];
	_ =	sdelay $0x2  }
0xb7: {  	s31 =	sshll.u32 s1, $0xD;
	s1 =	sshrl.u32 s1, $0x2  }
0xb8: {  	s3 =	sand.u32 $0x4000, s31;
	s1 =	sadd.s32 s1, s30  }
0xb9: {  	s0 =	sor.u32 s3, s0;
	s1 =	sshll.u32 s1, $0x11  }
0xba: {  	s0 =	sor.u32 s1, s0  }
0xbb: {  	s0 =	sadd.s32 $0x8F2B, s0  }
0xbc: {  	[sflag:s0] =	ssyncadd.remote.s32 $0x1  }
0xbd: {  	_ =	sfence.sel $0xFFFF  }
0xbe: {  	[dreg:$0x0] =	wrdreg $0xFFFFFFFF;
	(pc) =	sbr.abs _section_cstart, $3  }
0xbf: {  	[dreg:$0x1] =	wrdreg $0xFFFFFFFF  }
0xc0: {  	_ =	task.clear_ibuf [dreg:s6], $0x2FFFF;
	_ =	strace $0x9FFFFFFF  }
0xc1: {  	(tm) =	ssettm $0x7FFFFFFF  }
tec
execute0_lowered:
.L_overlay_start_1:
0x0: {  	(tag) =	ssettag $0x1  }
0x1: {  	s0 =	srdreg.scid;
	s1 =	stileid.u32  }
0x2: {  	s0 =	sand.u32 $0x1, s0;
	s21 =	smul.u32 $0xC3800, s1  }
0x3: {  	s11 =	smul.u32 $0x7800, s0;
	_ =	sdelay $0x1  }
0x4: {  	s1 =	sadd.s32 s11, s21  }
0x5: {  	s3 =	rddreg [dreg:$0x0];
	s2 =	simm.s32 $0x0;
	s18 =	sshrl.u32 s1, $0x3  }
0x6: {  	[smem:$0x7FF] =	sst s2;
	s28 =	sadd.s32 $0xC00, s3;
	s4 =	sadd.s32 $0x4000, s18  }
0x7: {  	_ =	strace $0x80000047;
	s6 =	sadd.s32 $0x5E00, s18;
	s5 =	sadd.s32 s28, s4  }
0x8: {  	s1 =	sadd.s32 $0x187C00, s3;
	s12 =	sadd.s32 s28, s6;
	[dreg:$0x2] =	wrdreg s5  }
0x9: {  	s14 =	sadd.s32 $0x7C00, s18;
	s13 =	sadd.s32 s1, s4;
	[dreg:$0x3] =	wrdreg s12  }
0xa: {  	s15 =	sadd.s32 s28, s14;
	[dreg:$0x4] =	wrdreg s13  }
0xb: {  	s9 =	sadd.s32 $0x9A00, s18;
	s16 =	sadd.s32 s1, s6;
	[dreg:$0x5] =	wrdreg s15  }
0xc: {  	s17 =	sadd.s32 s28, s9;
	[dreg:$0x6] =	wrdreg s16  }
0xd: {  	s19 =	sadd.s32 s1, s14;
	[dreg:$0x7] =	wrdreg s17  }
0xe: {  	[dreg:$0x8] =	wrdreg s19  }
0xf: {  	s5 =	rddreg [dreg:$0x2]  }
0x10: {  	[tilespmem:s2], [sflag:$0x1] =	stream.linear.gather [hbm4b:s5+s2], $0x7800, $0x38;
	[tilespmem:$0x15000] =	vst v63  }
0x11: {  	s3 =	simm.s32 $0x7800;
	s4 =	simm.s32 $0x1;
	s20 =	rddreg [dreg:$0x3]  }
0x12: {  	[tilespmem:s3], [sflag:$0x2] =	stream.linear.gather [hbm4b:s20+s2], $0x7800, $0x38;
	[tilespmem:$0x15000] =	vst v63  }
0x13: {  	_ =	swait.ge [sflag:s4], $0x7800  }
0x14: {  	[sflag:s4] =	ssyncset.done $0x0  }
0x15: {  	s5 =	simm.s32 $0x3;
	s22 =	rddreg [dreg:$0x4];
	[sflag:s4] =	ssyncadd.s32 $0xFFFF8800  }
0x16: {  	[hbm4b:s22+s2] =	stream.linear.scatter [tilespmem:s2], [sflag:$0x3], $0x7800, $0x38;
	[tilespmem:$0x15000] =	vst v63  }
0x17: {  	_ =	swait.ge [sflag:s5], $0x7800  }
0x18: {  	[sflag:s5] =	ssyncset.done $0x0  }
0x19: {  	s6 =	simm.s32 $0x2;
	s7 =	rddreg [dreg:$0x5];
	[sflag:s5] =	ssyncadd.s32 $0xFFFF8800  }
0x1a: {  	[tilespmem:s2], [sflag:$0x1] =	stream.linear.gather [hbm4b:s7+s2], $0x7800, $0x38;
	[tilespmem:$0x15000] =	vst v63  }
0x1b: {  	_ =	swait.ge [sflag:s6], $0x7800  }
0x1c: {  	[sflag:s6] =	ssyncset.done $0x0  }
0x1d: {  	s7 =	simm.s32 $0x4;
	s8 =	rddreg [dreg:$0x6];
	[sflag:s6] =	ssyncadd.s32 $0xFFFF8800  }
0x1e: {  	[hbm4b:s8+s2] =	stream.linear.scatter [tilespmem:s3], [sflag:$0x4], $0x7800, $0x38;
	[tilespmem:$0x15000] =	vst v63  }
0x1f: {  	_ =	swait.ge [sflag:s7], $0x7800  }
0x20: {  	[sflag:s7] =	ssyncset.done $0x0  }
0x21: {  	s23 =	rddreg [dreg:$0x7];
	[sflag:s7] =	ssyncadd.s32 $0xFFFF8800  }
0x22: {  	[tilespmem:s3], [sflag:$0x2] =	stream.linear.gather [hbm4b:s23+s2], $0x7800, $0x38;
	[tilespmem:$0x15000] =	vst v63  }
0x23: {  	_ =	swait.ge [sflag:s4], $0x7800  }
0x24: {  	[sflag:s4] =	ssyncset.done $0x0  }
0x25: {  	s24 =	rddreg [dreg:$0x8];
	[sflag:s4] =	ssyncadd.s32 $0xFFFF8800  }
0x26: {  	[hbm4b:s24+s2] =	stream.linear.scatter [tilespmem:s2], [sflag:$0x3], $0x7800, $0x38;
	[tilespmem:$0x15000] =	vst v63  }
0x27: {  	s11 =	sadd.s32 $0xB800, s18;
	_ =	swait.ge [sflag:s5], $0x7800  }
0x28: {  	s25 =	sadd.s32 s28, s11;
	[sflag:s5] =	ssyncset.done $0x0  }
0x29: {  	[dreg:$0x9] =	wrdreg s25;
	[sflag:s5] =	ssyncadd.s32 $0xFFFF8800  }
0x2a: {  	[tilespmem:s2], [sflag:$0x1] =	stream.linear.gather [hbm4b:s25+s2], $0x7800, $0x38;
	[tilespmem:$0x15000] =	vst v63  }
0x2b: {  	_ =	swait.ge [sflag:s6], $0x7800  }
0x2c: {  	s26 =	sadd.s32 s1, s9;
	[sflag:s6] =	ssyncset.done $0x0  }
0x2d: {  	[dreg:$0xa] =	wrdreg s26;
	[sflag:s6] =	ssyncadd.s32 $0xFFFF8800  }
0x2e: {  	[hbm4b:s26+s2] =	stream.linear.scatter [tilespmem:s3], [sflag:$0x4], $0x7800, $0x38;
	[tilespmem:$0x15000] =	vst v63  }
0x2f: {  	_ =	swait.ge [sflag:s7], $0x7800  }
0x30: {  	s13 =	sadd.s32 $0xD600, s18;
	[sflag:s7] =	ssyncset.done $0x0  }
0x31: {  	s10 =	sadd.s32 s28, s13;
	[sflag:s7] =	ssyncadd.s32 $0xFFFF8800  }
0x32: {  	[tilespmem:s3], [sflag:$0x2] =	stream.linear.gather [hbm4b:s10+s2], $0x7800, $0x38;
	[tilespmem:$0x15000] =	vst v63  }
0x33: {  	_ =	swait.ge [sflag:s4], $0x7800  }
0x34: {  	[sflag:s4] =	ssyncset.done $0x0  }
0x35: {  	s11 =	sadd.s32 s1, s11;
	[sflag:s4] =	ssyncadd.s32 $0xFFFF8800  }
0x36: {  	[hbm4b:s11+s2] =	stream.linear.scatter [tilespmem:s2], [sflag:$0x3], $0x7800, $0x38;
	[tilespmem:$0x15000] =	vst v63  }
0x37: {  	_ =	swait.ge [sflag:s5], $0x7800  }
0x38: {  	s15 =	sadd.s32 $0xF400, s18;
	[sflag:s5] =	ssyncset.done $0x0  }
0x39: {  	s12 =	sadd.s32 s28, s15;
	[sflag:s5] =	ssyncadd.s32 $0xFFFF8800  }
0x3a: {  	[tilespmem:s2], [sflag:$0x1] =	stream.linear.gather [hbm4b:s12+s2], $0x7800, $0x38;
	[tilespmem:$0x15000] =	vst v63  }
0x3b: {  	_ =	swait.ge [sflag:s6], $0x7800  }
0x3c: {  	[sflag:s6] =	ssyncset.done $0x0  }
0x3d: {  	s13 =	sadd.s32 s1, s13;
	[sflag:s6] =	ssyncadd.s32 $0xFFFF8800  }
0x3e: {  	[hbm4b:s13+s2] =	stream.linear.scatter [tilespmem:s3], [sflag:$0x4], $0x7800, $0x38;
	[tilespmem:$0x15000] =	vst v63  }
0x3f: {  	_ =	swait.ge [sflag:s7], $0x7800  }
0x40: {  	s17 =	sadd.s32 $0x11200, s18;
	[sflag:s7] =	ssyncset.done $0x0  }
0x41: {  	s14 =	sadd.s32 s28, s17;
	[sflag:s7] =	ssyncadd.s32 $0xFFFF8800  }
0x42: {  	[tilespmem:s3], [sflag:$0x2] =	stream.linear.gather [hbm4b:s14+s2], $0x7800, $0x38;
	[tilespmem:$0x15000] =	vst v63  }
0x43: {  	_ =	swait.ge [sflag:s4], $0x7800  }
0x44: {  	[sflag:s4] =	ssyncset.done $0x0  }
0x45: {  	s15 =	sadd.s32 s1, s15;
	[sflag:s4] =	ssyncadd.s32 $0xFFFF8800  }
0x46: {  	[hbm4b:s15+s2] =	stream.linear.scatter [tilespmem:s2], [sflag:$0x3], $0x7800, $0x38;
	[tilespmem:$0x15000] =	vst v63  }
0x47: {  	_ =	swait.ge [sflag:s5], $0x7800  }
0x48: {  	s19 =	sadd.s32 $0x13000, s18;
	[sflag:s5] =	ssyncset.done $0x0  }
0x49: {  	s16 =	sadd.s32 s28, s19;
	[sflag:s5] =	ssyncadd.s32 $0xFFFF8800  }
0x4a: {  	[tilespmem:s2], [sflag:$0x1] =	stream.linear.gather [hbm4b:s16+s2], $0x7800, $0x38;
	[tilespmem:$0x15000] =	vst v63  }
0x4b: {  	_ =	swait.ge [sflag:s6], $0x7800  }
0x4c: {  	[sflag:s6] =	ssyncset.done $0x0  }
0x4d: {  	s17 =	sadd.s32 s1, s17;
	[sflag:s6] =	ssyncadd.s32 $0xFFFF8800  }
0x4e: {  	[hbm4b:s17+s2] =	stream.linear.scatter [tilespmem:s3], [sflag:$0x4], $0x7800, $0x38;
	[tilespmem:$0x15000] =	vst v63  }
0x4f: {  	_ =	swait.ge [sflag:s7], $0x7800  }
0x50: {  	s20 =	sadd.s32 $0x14E00, s18;
	[sflag:s7] =	ssyncset.done $0x0  }
0x51: {  	s18 =	sadd.s32 s28, s20;
	[sflag:s7] =	ssyncadd.s32 $0xFFFF8800  }
0x52: {  	[tilespmem:s3], [sflag:$0x2] =	stream.linear.gather [hbm4b:s18+s2], $0x7800, $0x38;
	[tilespmem:$0x15000] =	vst v63  }
0x53: {  	_ =	swait.ge [sflag:s4], $0x7800  }
0x54: {  	[sflag:s4] =	ssyncset.done $0x0  }
0x55: {  	s19 =	sadd.s32 s1, s19;
	[sflag:s4] =	ssyncadd.s32 $0xFFFF8800  }
0x56: {  	[hbm4b:s19+s2] =	stream.linear.scatter [tilespmem:s2], [sflag:$0x3], $0x7800, $0x38;
	[tilespmem:$0x15000] =	vst v63  }
0x57: {  	_ =	swait.ge [sflag:s6], $0x7800  }
0x58: {  	[sflag:s6] =	ssyncset.done $0x0  }
0x59: {  	p0 =	seq.s32 s0, $0x1;
	s20 =	sadd.s32 s1, s20;
	[sflag:s6] =	ssyncadd.s32 $0xFFFF8800  }
0x5a: {  	[hbm4b:s20+s2] =	stream.linear.scatter [tilespmem:s3], [sflag:$0x4], $0x7800, $0x38;
	[tilespmem:$0x15000] =	vst v63  }
0x5b: {  	s29 =	sshrl.u32 s21, $0x3;
	s22 =	simm.s32 @p0 $0x0;
	_ =	swait.ge [sflag:s5], $0x7800  }
0x5c: {  	s23 =	simm.s32 @p0 $0xF000;
	s25 =	sadd.s32 $0x17B00, s29;
	[sflag:s5] =	ssyncset.done $0x0  }
0x5d: {  	s24 =	simm.s32 @p0 $0x5;
	s21 =	sadd.s32 s28, s25;
	[sflag:s5] =	ssyncadd.s32 $0xFFFF8800  }
0x5e: {  	[tilespmem:s23], [sflag:$0x5] =	stream.linear.gather @p0 [hbm4b:s21+s22], $0x6000, $0x38;
	[tilespmem:$0x15000] =	vst v63  }
0x5f: {  	s0 =	ssub.s32 $0x2, s0;
	_ =	swait.ge @p0 [sflag:s24], $0x6000  }
0x60: {  	s9 =	sshrl.u32 s0, $0x1;
	[sflag:s24] =	ssyncset.done @p0 $0x0  }
0x61: {  	s25 =	sadd.s32 s1, s25;
	s26 =	simm.s32 @p0 $0x6;
	[sflag:s24] =	ssyncadd.s32 @p0 $0xFFFFA000  }
0x62: {  	[hbm4b:s25+s22] =	stream.linear.scatter @p0 [tilespmem:s23], [sflag:$0x6], $0x6000, $0x38;
	[tilespmem:$0x15000] =	vst v63  }
0x63: {  	s30 =	simm.s32 @!p0 $0x1;
	s0 =	ssub.s32 s0, s9;
	_ =	swait.ge @p0 [sflag:s26], $0x6000  }
0x64: {  	s31 =	sadd.s32 $0x16C00, s29;
	s0 =	smax.u32 s0, $0x1;
	[sflag:s26] =	ssyncset.done @p0 $0x0  }
0x65: {  	s29 =	simm.s32 @!p0 $0x0;
	s28 =	sadd.s32 s28, s31;
	[sflag:s26] =	ssyncadd.s32 @p0 $0xFFFFA000  }
0x66: {  	[tilespmem:s29], [sflag:$0x1] =	stream.linear.gather @!p0 [hbm4b:s28+s29], $0x7800, $0x38;
	[tilespmem:$0x15000] =	vst v63  }
0x67: {  	s0 =	sadd.s32 $0xFFFFFFFF, s0;
	_ =	swait.ge @!p0 [sflag:s30], $0x7800  }
0x68: {  	p1 =	sne.s32 s0, $0x0;
	[sflag:s30] =	ssyncset.done @!p0 $0x0  }
0x69: {  	s31 =	sadd.s32 s1, s31;
	s1 =	simm.s32 @!p0 $0x3;
	[sflag:s30] =	ssyncadd.s32 @!p0 $0xFFFF8800  }
0x6a: {  	[hbm4b:s31+s29] =	stream.linear.scatter @!p0 [tilespmem:s29], [sflag:$0x3], $0x7800, $0x38;
	[tilespmem:$0x15000] =	vst v63  }
.Ltmp0:
0x6b: {  	_ =	swait.ge @!p0 [sflag:s1], $0x7800;
	(pc) =	sbr.rel @!p1 .LBB2_2-.Ltmp0, $4  }
0x6c: {  	[sflag:s1] =	ssyncset.done @!p0 $0x0  }
0x6d: {  	[sflag:s1] =	ssyncadd.s32 @!p0 $0xFFFF8800  }
0x6e: {  	_ =	swait.ge [sflag:s7], $0x7800  }
0x6f: {  	[sflag:s7] =	ssyncset.done $0x0  }
.LBB2_1:
0x70: {  	s8 =	rddreg [dreg:$0x2];
	[sflag:s7] =	ssyncadd.s32 $0xFFFF8800  }
0x71: {  	[tilespmem:s2], [sflag:$0x1] =	stream.linear.gather [hbm4b:s8+s2], $0x7800, $0x38;
	[tilespmem:$0x15000] =	vst v63  }
0x72: {  	s9 =	rddreg [dreg:$0x3]  }
0x73: {  	[tilespmem:s3], [sflag:$0x2] =	stream.linear.gather [hbm4b:s9+s2], $0x7800, $0x38;
	[tilespmem:$0x15000] =	vst v63  }
0x74: {  	_ =	swait.ge [sflag:s4], $0x7800  }
0x75: {  	[sflag:s4] =	ssyncset.done $0x0  }
0x76: {  	s9 =	rddreg [dreg:$0x4];
	[sflag:s4] =	ssyncadd.s32 $0xFFFF8800  }
0x77: {  	[hbm4b:s9+s2] =	stream.linear.scatter [tilespmem:s2], [sflag:$0x3], $0x7800, $0x38;
	[tilespmem:$0x15000] =	vst v63  }
0x78: {  	_ =	swait.ge [sflag:s5], $0x7800  }
0x79: {  	[sflag:s5] =	ssyncset.done $0x0  }
0x7a: {  	s9 =	rddreg [dreg:$0x5];
	[sflag:s5] =	ssyncadd.s32 $0xFFFF8800  }
0x7b: {  	[tilespmem:s2], [sflag:$0x1] =	stream.linear.gather [hbm4b:s9+s2], $0x7800, $0x38;
	[tilespmem:$0x15000] =	vst v63  }
0x7c: {  	_ =	swait.ge [sflag:s6], $0x7800  }
0x7d: {  	[sflag:s6] =	ssyncset.done $0x0  }
0x7e: {  	s9 =	rddreg [dreg:$0x6];
	[sflag:s6] =	ssyncadd.s32 $0xFFFF8800  }
0x7f: {  	[hbm4b:s9+s2] =	stream.linear.scatter [tilespmem:s3], [sflag:$0x4], $0x7800, $0x38;
	[tilespmem:$0x15000] =	vst v63  }
0x80: {  	_ =	swait.ge [sflag:s7], $0x7800  }
0x81: {  	[sflag:s7] =	ssyncset.done $0x0  }
0x82: {  	s9 =	rddreg [dreg:$0x7];
	[sflag:s7] =	ssyncadd.s32 $0xFFFF8800  }
0x83: {  	[tilespmem:s3], [sflag:$0x2] =	stream.linear.gather [hbm4b:s9+s2], $0x7800, $0x38;
	[tilespmem:$0x15000] =	vst v63  }
0x84: {  	_ =	swait.ge [sflag:s4], $0x7800  }
0x85: {  	[sflag:s4] =	ssyncset.done $0x0  }
0x86: {  	s9 =	rddreg [dreg:$0x8];
	[sflag:s4] =	ssyncadd.s32 $0xFFFF8800  }
0x87: {  	[hbm4b:s9+s2] =	stream.linear.scatter [tilespmem:s2], [sflag:$0x3], $0x7800, $0x38;
	[tilespmem:$0x15000] =	vst v63  }
0x88: {  	_ =	swait.ge [sflag:s5], $0x7800  }
0x89: {  	[sflag:s5] =	ssyncset.done $0x0  }
0x8a: {  	s9 =	rddreg [dreg:$0x9];
	[sflag:s5] =	ssyncadd.s32 $0xFFFF8800  }
0x8b: {  	[tilespmem:s2], [sflag:$0x1] =	stream.linear.gather [hbm4b:s9+s2], $0x7800, $0x38;
	[tilespmem:$0x15000] =	vst v63  }
0x8c: {  	_ =	swait.ge [sflag:s6], $0x7800  }
0x8d: {  	[sflag:s6] =	ssyncset.done $0x0  }
0x8e: {  	s9 =	rddreg [dreg:$0xa];
	[sflag:s6] =	ssyncadd.s32 $0xFFFF8800  }
0x8f: {  	[hbm4b:s9+s2] =	stream.linear.scatter [tilespmem:s3], [sflag:$0x4], $0x7800, $0x38;
	[tilespmem:$0x15000] =	vst v63  }
0x90: {  	_ =	swait.ge [sflag:s7], $0x7800  }
0x91: {  	[sflag:s7] =	ssyncset.done $0x0  }
0x92: {  	[sflag:s7] =	ssyncadd.s32 $0xFFFF8800  }
0x93: {  	[tilespmem:s3], [sflag:$0x2] =	stream.linear.gather [hbm4b:s10+s2], $0x7800, $0x38;
	[tilespmem:$0x15000] =	vst v63  }
0x94: {  	_ =	swait.ge [sflag:s4], $0x7800  }
0x95: {  	[sflag:s4] =	ssyncset.done $0x0  }
0x96: {  	[sflag:s4] =	ssyncadd.s32 $0xFFFF8800  }
0x97: {  	[hbm4b:s11+s2] =	stream.linear.scatter [tilespmem:s2], [sflag:$0x3], $0x7800, $0x38;
	[tilespmem:$0x15000] =	vst v63  }
0x98: {  	_ =	swait.ge [sflag:s5], $0x7800  }
0x99: {  	[sflag:s5] =	ssyncset.done $0x0  }
0x9a: {  	[sflag:s5] =	ssyncadd.s32 $0xFFFF8800  }
0x9b: {  	[tilespmem:s2], [sflag:$0x1] =	stream.linear.gather [hbm4b:s12+s2], $0x7800, $0x38;
	[tilespmem:$0x15000] =	vst v63  }
0x9c: {  	_ =	swait.ge [sflag:s6], $0x7800  }
0x9d: {  	[sflag:s6] =	ssyncset.done $0x0  }
0x9e: {  	[sflag:s6] =	ssyncadd.s32 $0xFFFF8800  }
0x9f: {  	[hbm4b:s13+s2] =	stream.linear.scatter [tilespmem:s3], [sflag:$0x4], $0x7800, $0x38;
	[tilespmem:$0x15000] =	vst v63  }
0xa0: {  	_ =	swait.ge [sflag:s7], $0x7800  }
0xa1: {  	[sflag:s7] =	ssyncset.done $0x0  }
0xa2: {  	[sflag:s7] =	ssyncadd.s32 $0xFFFF8800  }
0xa3: {  	[tilespmem:s3], [sflag:$0x2] =	stream.linear.gather [hbm4b:s14+s2], $0x7800, $0x38;
	[tilespmem:$0x15000] =	vst v63  }
0xa4: {  	_ =	swait.ge [sflag:s4], $0x7800  }
0xa5: {  	[sflag:s4] =	ssyncset.done $0x0  }
0xa6: {  	[sflag:s4] =	ssyncadd.s32 $0xFFFF8800  }
0xa7: {  	[hbm4b:s15+s2] =	stream.linear.scatter [tilespmem:s2], [sflag:$0x3], $0x7800, $0x38;
	[tilespmem:$0x15000] =	vst v63  }
0xa8: {  	_ =	swait.ge [sflag:s5], $0x7800  }
0xa9: {  	[sflag:s5] =	ssyncset.done $0x0  }
0xaa: {  	[sflag:s5] =	ssyncadd.s32 $0xFFFF8800  }
0xab: {  	[tilespmem:s2], [sflag:$0x1] =	stream.linear.gather [hbm4b:s16+s2], $0x7800, $0x38;
	[tilespmem:$0x15000] =	vst v63  }
0xac: {  	_ =	swait.ge [sflag:s6], $0x7800  }
0xad: {  	[sflag:s6] =	ssyncset.done $0x0  }
0xae: {  	[sflag:s6] =	ssyncadd.s32 $0xFFFF8800  }
0xaf: {  	[hbm4b:s17+s2] =	stream.linear.scatter [tilespmem:s3], [sflag:$0x4], $0x7800, $0x38;
	[tilespmem:$0x15000] =	vst v63  }
0xb0: {  	_ =	swait.ge [sflag:s7], $0x7800  }
0xb1: {  	[sflag:s7] =	ssyncset.done $0x0  }
0xb2: {  	[sflag:s7] =	ssyncadd.s32 $0xFFFF8800  }
0xb3: {  	[tilespmem:s3], [sflag:$0x2] =	stream.linear.gather [hbm4b:s18+s2], $0x7800, $0x38;
	[tilespmem:$0x15000] =	vst v63  }
0xb4: {  	_ =	swait.ge [sflag:s4], $0x7800  }
0xb5: {  	[sflag:s4] =	ssyncset.done $0x0  }
0xb6: {  	[sflag:s4] =	ssyncadd.s32 $0xFFFF8800  }
0xb7: {  	[hbm4b:s19+s2] =	stream.linear.scatter [tilespmem:s2], [sflag:$0x3], $0x7800, $0x38;
	[tilespmem:$0x15000] =	vst v63  }
0xb8: {  	_ =	swait.ge [sflag:s6], $0x7800  }
0xb9: {  	[sflag:s6] =	ssyncset.done $0x0  }
0xba: {  	[sflag:s6] =	ssyncadd.s32 $0xFFFF8800  }
0xbb: {  	[hbm4b:s20+s2] =	stream.linear.scatter [tilespmem:s3], [sflag:$0x4], $0x7800, $0x38;
	[tilespmem:$0x15000] =	vst v63  }
0xbc: {  	_ =	swait.ge [sflag:s5], $0x7800  }
0xbd: {  	[sflag:s5] =	ssyncset.done $0x0  }
0xbe: {  	[sflag:s5] =	ssyncadd.s32 $0xFFFF8800  }
0xbf: {  	[tilespmem:s23], [sflag:$0x5] =	stream.linear.gather @p0 [hbm4b:s21+s22], $0x6000, $0x38;
	[tilespmem:$0x15000] =	vst v63  }
0xc0: {  	_ =	swait.ge @p0 [sflag:s24], $0x6000  }
0xc1: {  	[sflag:s24] =	ssyncset.done @p0 $0x0  }
0xc2: {  	[sflag:s24] =	ssyncadd.s32 @p0 $0xFFFFA000  }
0xc3: {  	[hbm4b:s25+s22] =	stream.linear.scatter @p0 [tilespmem:s23], [sflag:$0x6], $0x6000, $0x38;
	[tilespmem:$0x15000] =	vst v63  }
0xc4: {  	_ =	swait.ge @p0 [sflag:s26], $0x6000  }
0xc5: {  	[sflag:s26] =	ssyncset.done @p0 $0x0  }
0xc6: {  	[sflag:s26] =	ssyncadd.s32 @p0 $0xFFFFA000  }
0xc7: {  	[tilespmem:s29], [sflag:$0x1] =	stream.linear.gather @!p0 [hbm4b:s28+s29], $0x7800, $0x38;
	[tilespmem:$0x15000] =	vst v63  }
0xc8: {  	_ =	swait.ge @!p0 [sflag:s30], $0x7800  }
0xc9: {  	s0 =	sadd.s32 $0xFFFFFFFF, s0;
	[sflag:s30] =	ssyncset.done @!p0 $0x0  }
0xca: {  	p1 =	sne.s32 s0, $0x0;
	[sflag:s30] =	ssyncadd.s32 @!p0 $0xFFFF8800  }
0xcb: {  	[hbm4b:s31+s29] =	stream.linear.scatter @!p0 [tilespmem:s29], [sflag:$0x3], $0x7800, $0x38;
	[tilespmem:$0x15000] =	vst v63  }
.Ltmp1:
0xcc: {  	_ =	swait.ge @!p0 [sflag:s1], $0x7800;
	(pc) =	sbr.rel @p1 .LBB2_1-.Ltmp1, $4  }
0xcd: {  	[sflag:s1] =	ssyncset.done @!p0 $0x0  }
0xce: {  	[sflag:s1] =	ssyncadd.s32 @!p0 $0xFFFF8800  }
0xcf: {  	_ =	swait.ge [sflag:s7], $0x7800  }
0xd0: {  	[sflag:s7] =	ssyncset.done $0x0  }
.LBB2_2:
0xd1: {  	[sflag:s7] =	ssyncadd.s32 $0xFFFF8800  }
0xd2: {  	_ =	sfence.sel $0x180000  }
0xd3: {  	[bflag:$0x0] =	sbarrier.arrive $0xFFFF  }
0xd4: {  	_ =	strace $0x90000047  }
0xd5: {  	s0 =	stileid.u32;
	[bflag:$0x2] =	sbarrier.arrive $0xFFFF  }
0xd6: {  	p0 =	sne.s32 s0, $0x0;
	s0 =	rddreg [dreg:$0x1]  }
0xd7: {  	s0 =	sadd.s32 @!p0 $0x100000, s0  }
0xd8: {  	[sflag:s0] =	ssyncadd.tile.s32 @!p0 $0x1;
	_ =	shalt  }
.Lfunc_end2:
_tile_overlayer_lowered:
.L_overlay_start_2:
0xd9: {  	(tag) =	ssettag $0x2  }
0xda: {  	s0 =	rddreg [dreg:$0x0];
	s2 =	stileid.u32  }
0xdb: {  	s1 =	rddreg [dreg:$0x1];
	p0 =	sne.s32 s2, $0x0  }
0xdc: {  	s3 =	rddreg [dreg:$0x2];
	[bflag:$0x3] =	sbarrier.arrive $0xFFFF;
	s2 =	simm.s32 @!p0 $0x1C07  }
0xdd: {  	[timem:s3], [sflag:s2] =	dma.local @!p0 [hbm:s0], s1  }
0xde: {  	s0 =	simm.s32 @!p0 $0x7  }
0xdf: {  	_ =	swait.ge @!p0 [sflag:s0], s1  }
0xe0: {  	s1 =	ssub.s32 @!p0 $0x0, s1;
	[sflag:s0] =	ssyncset.done @!p0 $0x0  }
0xe1: {  	[sflag:s0] =	ssyncadd.s32 @!p0 s1  }
0xe2: {  	[bflag:$0x3] =	sbarrier.arrive $0xFFFF  }
0xe3: {  	_ =	shalt  }

</sc_bundles>
